<compile_context>
chip_gen: v7x
topology: tpu7x:2x2x1
jax: 0.10.2.dev20260603
libtpu: 0.0.44.dev20260713+nightly
codegen_flags: <defaults>
</compile_context>

<pallas_src>
import functools

import jax
import jax.numpy as jnp
from jax import lax
from jax.experimental import pallas as pl
from jax.experimental.pallas import tpu as pltpu
from jax.experimental.pallas import tpu_sc as plsc

_POOL = 8
_LANES = 16


@functools.lru_cache(maxsize=None)
def _sc_pool_kernel(d0, d1, n_out, d2):
    NC, NS = 2, 16
    NW = NC * NS
    R = d0 * n_out
    rows_w = R // NW
    G = 16
    C = rows_w // G
    NIDX = G * _POOL

    assert R % NW == 0 and rows_w % G == 0
    assert n_out % rows_w == 0
    assert d2 % _LANES == 0

    NB = 2
    assert C % NB == 0

    mesh = plsc.VectorSubcoreMesh(
        core_axis_name="c", subcore_axis_name="s",
        num_cores=NC, num_subcores=NS)

    @functools.partial(
        pl.kernel,
        out_type=jax.ShapeDtypeStruct((R, d2), jnp.float32),
        mesh=mesh,
        scratch_types=[
            pltpu.VMEM((rows_w * _POOL,), jnp.int32),
            [pltpu.VMEM((NIDX, d2), jnp.float32)] * NB,
            [pltpu.VMEM((G, d2), jnp.float32)] * NB,
            [pltpu.SemaphoreType.DMA] * NB,
            [pltpu.SemaphoreType.DMA] * NB,
        ],
    )
    def k(batch_hbm, idx_hbm, out_hbm, idx_v, gbufs, obufs, gsems, osems):
        wid = lax.axis_index("s") * NC + lax.axis_index("c")
        out0 = wid * rows_w
        b = out0 // n_out
        j0 = out0 % n_out
        pltpu.sync_copy(idx_hbm.at[pl.ds(j0 * _POOL, rows_w * _POOL)], idx_v)
        src = batch_hbm.at[b]

        def gather(c, s):
            idx = idx_v.at[pl.ds(c * NIDX, NIDX)]
            return pltpu.make_async_copy(src.at[idx], gbufs[s], gsems[s])

        def store(c, s):
            dst = out_hbm.at[pl.ds(out0 + c * G, G)]
            return pltpu.make_async_copy(obufs[s], dst, osems[s])

        for s in range(NB):
            gather(s, s).start()

        def group(g, carry):
            for s in range(NB):
                c = g * NB + s
                gather(c, s).wait()
                @pl.when(g > 0)
                def _():
                    store(c - NB, s).wait()
                gbuf, obuf = gbufs[s], obufs[s]
                @plsc.parallel_loop(0, G * (d2 // _LANES), unroll=4)
                def _(i):
                    r = i // (d2 // _LANES)
                    sl = pl.ds((i % (d2 // _LANES)) * _LANES, _LANES)
                    base = r * _POOL
                    m0 = jnp.maximum(gbuf[base + 0, sl], gbuf[base + 1, sl])
                    m1 = jnp.maximum(gbuf[base + 2, sl], gbuf[base + 3, sl])
                    m2 = jnp.maximum(gbuf[base + 4, sl], gbuf[base + 5, sl])
                    m3 = jnp.maximum(gbuf[base + 6, sl], gbuf[base + 7, sl])
                    obuf[r, sl] = jnp.maximum(jnp.maximum(m0, m1),
                                              jnp.maximum(m2, m3))
                @pl.when(c + NB < C)
                def _():
                    gather(c + NB, s).start()
                store(c, s).start()
            return carry

        lax.fori_loop(0, C // NB, group, 0)
        for s in range(NB):
            store(C - NB + s, s).wait()

    return k


def kernel(batch, n_tens):
    d0, d1, d2 = batch.shape
    n_out = n_tens.shape[0] // _POOL
    out = _sc_pool_kernel(d0, d1, n_out, d2)(batch, n_tens)
    return out.reshape(d0, n_out, d2)

# --- scband reference (transcript-rebuilt; emitter-appended) ---
"""Pipeline reference for scband-tet-pool-layer-80848464380356 (READ-ONLY COPY).

The authoritative reference and input builder live on the scoring server;
editing this copy changes nothing except your own understanding.
"""

import jax, jax.numpy as jnp
import numpy as np

POOL_SIZE = 8

def setup_inputs(seed: int = 0) -> dict:
    key = jax.random.key(seed)
    k1, k2 = jax.random.split(key)
    batch = jax.random.normal(k1, (4, 65536, 256), dtype=jnp.float32)
    # n_tens buffer: flattened [n_new_tets * pool_size] indices into the fine-tet axis
    n_tens = jax.random.randint(k2, (65536,), 0, 65536, dtype=jnp.int32)
    return {"batch": batch, "n_tens": n_tens}

def reference(batch, n_tens):
    d0, d1, d2 = batch.shape
    # index_select along dim 1, reshape to groups of pool_size, then max-pool (pool_type='max')
    gathered = jnp.take(batch, n_tens, axis=1).reshape(d0, -1, POOL_SIZE, d2)
    return jnp.max(gathered, axis=2)

if __name__ == "__main__":
    import jax
    _d = setup_inputs()
    print(jax.jit(kernel)(*tuple(_d.values())))

</pallas_src>

<mosaic_0001>
#map = affine_map<(d0, d1) -> (0, 0, 0)>
#map1 = affine_map<(d0, d1) -> (0)>
#map2 = affine_map<(d0, d1) -> (0, 0)>
module attributes {stable_mosaic.version = 14 : i64} {
  func.func @k(%arg0: i32, %arg1: i32, %arg2: memref<4x65536x256xf32, #tpu.memory_space<hbm>>, %arg3: memref<65536xi32, #tpu.memory_space<hbm>>, %arg4: memref<32768x256xf32, #tpu.memory_space<hbm>>, %arg5: memref<8192xi32, #tpu.memory_space<vmem>>, %arg6: memref<128x256xf32, #tpu.memory_space<vmem>>, %arg7: memref<128x256xf32, #tpu.memory_space<vmem>>, %arg8: memref<16x256xf32, #tpu.memory_space<vmem>>, %arg9: memref<16x256xf32, #tpu.memory_space<vmem>>, %arg10: memref<!tpu.dma_semaphore, #tpu.memory_space<semaphore_mem>>, %arg11: memref<!tpu.dma_semaphore, #tpu.memory_space<semaphore_mem>>, %arg12: memref<!tpu.dma_semaphore, #tpu.memory_space<semaphore_mem>>, %arg13: memref<!tpu.dma_semaphore, #tpu.memory_space<semaphore_mem>>) attributes {dimension_semantics = [#tpu.dimension_semantics<core_parallel>, #tpu.dimension_semantics<subcore_parallel>], iteration_bounds = array<i64: 2, 16>, scalar_prefetch = 0 : i64, scratch_operands = 9 : i64, tpu.core_type = #tpu.core_type<sc_vector_subcore>, window_params = [{transform_indices = #map}, {transform_indices = #map1}, {transform_indices = #map2}]} {
    %mul3A = arith.constant 2 : i32
    %mul3A_0 = arith.muli %arg1, %mul3A : i32
    %add3A = arith.addi %mul3A_0, %arg0 : i32
    %mul3A_1 = arith.constant 1024 : i32
    %mul3A_2 = arith.muli %add3A, %mul3A_1 : i32
    %jit3A = arith.constant 8192 : i32
    %div3A = arith.divsi %mul3A_2, %jit3A : i32
    %sign3A = arith.constant 0 : i32
    %sign3A_3 = arith.cmpi sgt, %mul3A_2, %sign3A : i32
    %sign3A_4 = arith.extui %sign3A_3 : i1 to i32
    %sign3A_5 = arith.constant 0 : i32
    %sign3A_6 = arith.cmpi slt, %mul3A_2, %sign3A_5 : i32
    %sign3A_7 = arith.extui %sign3A_6 : i1 to i32
    %sign3A_8 = arith.subi %sign3A_4, %sign3A_7 : i32
    %sign3A_9 = arith.constant 0 : i32
    %sign3A_10 = arith.cmpi sgt, %jit3A, %sign3A_9 : i32
    %sign3A_11 = arith.extui %sign3A_10 : i1 to i32
    %sign3A_12 = arith.constant 0 : i32
    %sign3A_13 = arith.cmpi slt, %jit3A, %sign3A_12 : i32
    %sign3A_14 = arith.extui %sign3A_13 : i1 to i32
    %sign3A_15 = arith.subi %sign3A_11, %sign3A_14 : i32
    %ne3A = arith.cmpi ne, %sign3A_8, %sign3A_15 : i32
    %rem3A = arith.remsi %mul3A_2, %jit3A : i32
    %ne3A_16 = arith.constant 0 : i32
    %ne3A_17 = arith.cmpi ne, %rem3A, %ne3A_16 : i32
    %and3A = arith.andi %ne3A, %ne3A_17 : i1
    %sub3A = arith.constant 1 : i32
    %sub3A_18 = arith.subi %div3A, %sub3A : i32
    %select_n3A = arith.select %and3A, %sub3A_18, %div3A : i32
    %jit3A_19 = arith.constant 8192 : i32
    %eq3A = arith.constant 0 : i32
    %eq3A_20 = arith.cmpi eq, %jit3A_19, %eq3A : i32
    %jit3A_21 = arith.constant 1 : i32
    %select_n3A_22 = arith.select %eq3A_20, %jit3A_21, %jit3A_19 : i32
    %rem3A_23 = arith.remsi %mul3A_2, %select_n3A_22 : i32
    %ne3A_24 = arith.constant 0 : i32
    %ne3A_25 = arith.cmpi ne, %rem3A_23, %ne3A_24 : i32
    %lt3A = arith.constant 0 : i32
    %lt3A_26 = arith.cmpi slt, %rem3A_23, %lt3A : i32
    %lt3A_27 = arith.constant 0 : i32
    %lt3A_28 = arith.cmpi slt, %select_n3A_22, %lt3A_27 : i32
    %ne3A_29 = arith.xori %lt3A_26, %lt3A_28 : i1
    %and3A_30 = arith.andi %ne3A_29, %ne3A_25 : i1
    %add3A_31 = arith.addi %rem3A_23, %select_n3A_22 : i32
    %select_n3A_32 = arith.select %and3A_30, %add3A_31, %rem3A_23 : i32
    %mul3A_33 = arith.constant 8 : i32
    %mul3A_34 = arith.muli %select_n3A_32, %mul3A_33 : i32
    "tpu.region"() ({
      %run_scoped3A = tpu.sem_alloc : memref<!tpu.dma_semaphore, #tpu.memory_space<semaphore_mem>>
      %dma_start3A_68 = tpu.memref_slice %arg3[%mul3A_34] : memref<65536xi32, #tpu.memory_space<hbm>> -> memref<8192xi32, #tpu.memory_space<hbm>>
      %dma_start3A_69 = tpu.memref_slice %arg3[%mul3A_34] : memref<65536xi32, #tpu.memory_space<hbm>> -> memref<8192xi32, #tpu.memory_space<hbm>>
      tpu.enqueue_dma source(%dma_start3A_69 : memref<8192xi32, #tpu.memory_space<hbm>>) target(%arg5 : memref<8192xi32, #tpu.memory_space<vmem>>) target_semaphore(%run_scoped3A : memref<!tpu.dma_semaphore, #tpu.memory_space<semaphore_mem>>)
      %dma_wait3A_70 = tpu.memref_slice %arg3[%mul3A_34] : memref<65536xi32, #tpu.memory_space<hbm>> -> memref<8192xi32, #tpu.memory_space<hbm>>
      %dma_wait3A_71 = tpu.memref_slice %arg3[%mul3A_34] : memref<65536xi32, #tpu.memory_space<hbm>> -> memref<8192xi32, #tpu.memory_space<hbm>>
      tpu.wait_dma2 semaphore(%run_scoped3A : memref<!tpu.dma_semaphore, #tpu.memory_space<semaphore_mem>>) src(%dma_wait3A_71 : memref<8192xi32, #tpu.memory_space<hbm>>) dst(%arg5 : memref<8192xi32, #tpu.memory_space<vmem>>)
      tpu.yield
    }) : () -> ()
    %dma_start3A = arith.constant 0 : i32
    %dma_start3A_35 = tpu.memref_slice %arg5[%dma_start3A] : memref<8192xi32, #tpu.memory_space<vmem>> -> memref<128xi32, #tpu.memory_space<vmem>>
    %dma_start3A_36 = arith.constant 0 : i32
    %dma_start3A_37 = arith.constant 0 : i32
    %dma_start3A_38 = tpu.memref_slice %arg2[%select_n3A, %dma_start3A_36, %dma_start3A_37] : memref<4x65536x256xf32, #tpu.memory_space<hbm>> -> memref<1x65536x256xf32, #tpu.memory_space<hbm>>
    %dma_start3A_39 = tpu.memref_squeeze %dma_start3A_38 : memref<1x65536x256xf32, #tpu.memory_space<hbm>> -> memref<65536x256xf32, #tpu.memory_space<hbm>>
    %dma_start3A_40 = arith.constant 0 : i32
    %dma_start3A_41 = arith.constant 0 : i32
    %dma_start3A_42 = tpu.memref_slice %dma_start3A_39[%dma_start3A_40, %dma_start3A_41] : memref<65536x256xf32, #tpu.memory_space<hbm>> -> memref<65536x256xf32, #tpu.memory_space<hbm>>
    tpu.enqueue_indirect_dma source(%dma_start3A_42 : memref<65536x256xf32, #tpu.memory_space<hbm>>) target(%arg6 : memref<128x256xf32, #tpu.memory_space<vmem>>) offsets(%dma_start3A_35 : memref<128xi32, #tpu.memory_space<vmem>>) semaphore(%arg10 : memref<!tpu.dma_semaphore, #tpu.memory_space<semaphore_mem>>)
    %dma_start3A_43 = arith.constant 128 : i32
    %dma_start3A_44 = tpu.memref_slice %arg5[%dma_start3A_43] : memref<8192xi32, #tpu.memory_space<vmem>> -> memref<128xi32, #tpu.memory_space<vmem>>
    %dma_start3A_45 = arith.constant 0 : i32
    %dma_start3A_46 = arith.constant 0 : i32
    %dma_start3A_47 = tpu.memref_slice %arg2[%select_n3A, %dma_start3A_45, %dma_start3A_46] : memref<4x65536x256xf32, #tpu.memory_space<hbm>> -> memref<1x65536x256xf32, #tpu.memory_space<hbm>>
    %dma_start3A_48 = tpu.memref_squeeze %dma_start3A_47 : memref<1x65536x256xf32, #tpu.memory_space<hbm>> -> memref<65536x256xf32, #tpu.memory_space<hbm>>
    %dma_start3A_49 = arith.constant 0 : i32
    %dma_start3A_50 = arith.constant 0 : i32
    %dma_start3A_51 = tpu.memref_slice %dma_start3A_48[%dma_start3A_49, %dma_start3A_50] : memref<65536x256xf32, #tpu.memory_space<hbm>> -> memref<65536x256xf32, #tpu.memory_space<hbm>>
    tpu.enqueue_indirect_dma source(%dma_start3A_51 : memref<65536x256xf32, #tpu.memory_space<hbm>>) target(%arg7 : memref<128x256xf32, #tpu.memory_space<vmem>>) offsets(%dma_start3A_44 : memref<128xi32, #tpu.memory_space<vmem>>) semaphore(%arg11 : memref<!tpu.dma_semaphore, #tpu.memory_space<semaphore_mem>>)
    %scan3A = arith.constant 0 : i32
    %scan3A_52 = arith.constant 0 : i32
    %scan3A_53 = arith.constant 32 : i32
    %scan3A_54 = arith.addi %scan3A_52, %scan3A_53 : i32
    %scan3A_55 = arith.constant 1 : i32
    scf.for %scan3A_68 = %scan3A_52 to %scan3A_54 step %scan3A_55  : i32 {
      %mul3A_69 = arith.constant 2 : i32
      %mul3A_70 = arith.muli %scan3A_68, %mul3A_69 : i32
      %add3A_71 = arith.constant 0 : i32
      %add3A_72 = arith.addi %mul3A_70, %add3A_71 : i32
      %mul3A_73 = arith.constant 128 : i32
      %mul3A_74 = arith.muli %add3A_72, %mul3A_73 : i32
      %dma_wait3A_75 = tpu.memref_slice %arg5[%mul3A_74] : memref<8192xi32, #tpu.memory_space<vmem>> -> memref<128xi32, #tpu.memory_space<vmem>>
      %dma_wait3A_76 = arith.constant 0 : i32
      %dma_wait3A_77 = arith.constant 0 : i32
      %dma_wait3A_78 = tpu.memref_slice %arg2[%select_n3A, %dma_wait3A_76, %dma_wait3A_77] : memref<4x65536x256xf32, #tpu.memory_space<hbm>> -> memref<1x65536x256xf32, #tpu.memory_space<hbm>>
      %dma_wait3A_79 = tpu.memref_squeeze %dma_wait3A_78 : memref<1x65536x256xf32, #tpu.memory_space<hbm>> -> memref<65536x256xf32, #tpu.memory_space<hbm>>
      %dma_wait3A_80 = arith.constant 0 : i32
      %dma_wait3A_81 = arith.constant 0 : i32
      %dma_wait3A_82 = tpu.memref_slice %dma_wait3A_79[%dma_wait3A_80, %dma_wait3A_81] : memref<65536x256xf32, #tpu.memory_space<hbm>> -> memref<65536x256xf32, #tpu.memory_space<hbm>>
      tpu.wait_indirect_dma semaphore(%arg10 : memref<!tpu.dma_semaphore, #tpu.memory_space<semaphore_mem>>) src(%dma_wait3A_82 : memref<65536x256xf32, #tpu.memory_space<hbm>>) dst(%arg6 : memref<128x256xf32, #tpu.memory_space<vmem>>)
      %gt3A = arith.constant 0 : i32
      %gt3A_83 = arith.cmpi sgt, %scan3A_68, %gt3A : i32
      %convert_element_type3A = arith.extui %gt3A_83 : i1 to i32
      %cond3A = arith.constant 0 : i32
      %cond3A_84 = arith.cmpi ne, %convert_element_type3A, %cond3A : i32
      scf.if %cond3A_84 {
        %sub3A_137 = arith.constant 2 : i32
        %sub3A_138 = arith.subi %add3A_72, %sub3A_137 : i32
        %mul3A_139 = arith.constant 16 : i32
        %mul3A_140 = arith.muli %sub3A_138, %mul3A_139 : i32
        %add3A_141 = arith.addi %mul3A_2, %mul3A_140 : i32
        %dma_wait3A_142 = arith.constant 0 : i32
        %dma_wait3A_143 = tpu.memref_slice %arg4[%add3A_141, %dma_wait3A_142] : memref<32768x256xf32, #tpu.memory_space<hbm>> -> memref<16x256xf32, #tpu.memory_space<hbm>>
        %dma_wait3A_144 = arith.constant 0 : i32
        %dma_wait3A_145 = tpu.memref_slice %arg4[%add3A_141, %dma_wait3A_144] : memref<32768x256xf32, #tpu.memory_space<hbm>> -> memref<16x256xf32, #tpu.memory_space<hbm>>
        tpu.wait_dma2 semaphore(%arg12 : memref<!tpu.dma_semaphore, #tpu.memory_space<semaphore_mem>>) src(%arg8 : memref<16x256xf32, #tpu.memory_space<vmem>>) dst(%dma_wait3A_145 : memref<16x256xf32, #tpu.memory_space<hbm>>)
      } else {
      }
      %parallel_loop3A = arith.constant 0 : i32
      %parallel_loop3A_85 = arith.constant 256 : i32
      %parallel_loop3A_86 = arith.constant 1 : i32
      scf.for %parallel_loop3A_137 = %parallel_loop3A to %parallel_loop3A_85 step %parallel_loop3A_86  : i32 {
        %parallel_loop3A_138 = arith.constant 16 : i32
        %parallel_loop3A_139 = arith.divsi %parallel_loop3A_137, %parallel_loop3A_138 : i32
        %parallel_loop3A_140 = arith.constant 0 : i32
        %parallel_loop3A_141 = arith.cmpi sgt, %parallel_loop3A_137, %parallel_loop3A_140 : i32
        %parallel_loop3A_142 = arith.extui %parallel_loop3A_141 : i1 to i32
        %parallel_loop3A_143 = arith.constant 0 : i32
        %parallel_loop3A_144 = arith.cmpi slt, %parallel_loop3A_137, %parallel_loop3A_143 : i32
        %parallel_loop3A_145 = arith.extui %parallel_loop3A_144 : i1 to i32
        %parallel_loop3A_146 = arith.subi %parallel_loop3A_142, %parallel_loop3A_145 : i32
        %parallel_loop3A_147 = arith.constant 0 : i32
        %parallel_loop3A_148 = arith.cmpi sgt, %parallel_loop3A_138, %parallel_loop3A_147 : i32
        %parallel_loop3A_149 = arith.extui %parallel_loop3A_148 : i1 to i32
        %parallel_loop3A_150 = arith.constant 0 : i32
        %parallel_loop3A_151 = arith.cmpi slt, %parallel_loop3A_138, %parallel_loop3A_150 : i32
        %parallel_loop3A_152 = arith.extui %parallel_loop3A_151 : i1 to i32
        %parallel_loop3A_153 = arith.subi %parallel_loop3A_149, %parallel_loop3A_152 : i32
        %parallel_loop3A_154 = arith.cmpi ne, %parallel_loop3A_146, %parallel_loop3A_153 : i32
        %parallel_loop3A_155 = arith.remsi %parallel_loop3A_137, %parallel_loop3A_138 : i32
        %parallel_loop3A_156 = arith.constant 0 : i32
        %parallel_loop3A_157 = arith.cmpi ne, %parallel_loop3A_155, %parallel_loop3A_156 : i32
        %parallel_loop3A_158 = arith.andi %parallel_loop3A_154, %parallel_loop3A_157 : i1
        %parallel_loop3A_159 = arith.constant 1 : i32
        %parallel_loop3A_160 = arith.subi %parallel_loop3A_139, %parallel_loop3A_159 : i32
        %parallel_loop3A_161 = arith.select %parallel_loop3A_158, %parallel_loop3A_160, %parallel_loop3A_139 : i32
        %parallel_loop3A_162 = arith.constant 16 : i32
        %parallel_loop3A_163 = arith.constant 0 : i32
        %parallel_loop3A_164 = arith.cmpi eq, %parallel_loop3A_162, %parallel_loop3A_163 : i32
        %parallel_loop3A_165 = arith.constant 1 : i32
        %parallel_loop3A_166 = arith.select %parallel_loop3A_164, %parallel_loop3A_165, %parallel_loop3A_162 : i32
        %parallel_loop3A_167 = arith.remsi %parallel_loop3A_137, %parallel_loop3A_166 : i32
        %parallel_loop3A_168 = arith.constant 0 : i32
        %parallel_loop3A_169 = arith.cmpi ne, %parallel_loop3A_167, %parallel_loop3A_168 : i32
        %parallel_loop3A_170 = arith.constant 0 : i32
        %parallel_loop3A_171 = arith.cmpi slt, %parallel_loop3A_167, %parallel_loop3A_170 : i32
        %parallel_loop3A_172 = arith.constant 0 : i32
        %parallel_loop3A_173 = arith.cmpi slt, %parallel_loop3A_166, %parallel_loop3A_172 : i32
        %parallel_loop3A_174 = arith.xori %parallel_loop3A_171, %parallel_loop3A_173 : i1
        %parallel_loop3A_175 = arith.andi %parallel_loop3A_174, %parallel_loop3A_169 : i1
        %parallel_loop3A_176 = arith.addi %parallel_loop3A_167, %parallel_loop3A_166 : i32
        %parallel_loop3A_177 = arith.select %parallel_loop3A_175, %parallel_loop3A_176, %parallel_loop3A_167 : i32
        %parallel_loop3A_178 = arith.constant 16 : i32
        %parallel_loop3A_179 = arith.muli %parallel_loop3A_177, %parallel_loop3A_178 : i32
        %parallel_loop3A_180 = arith.constant 8 : i32
        %parallel_loop3A_181 = arith.muli %parallel_loop3A_161, %parallel_loop3A_180 : i32
        %parallel_loop3A_182 = arith.constant 0 : i32
        %parallel_loop3A_183 = arith.addi %parallel_loop3A_181, %parallel_loop3A_182 : i32
        %parallel_loop3A_184 = arith.index_cast %parallel_loop3A_183 : i32 to index
        %parallel_loop3A_185 = arith.index_cast %parallel_loop3A_179 : i32 to index
        %parallel_loop3A_186 = tpu.vector_load %arg6[%parallel_loop3A_184, %parallel_loop3A_185] {strides = array<i32>} : memref<128x256xf32, #tpu.memory_space<vmem>>, vector<1x16xf32>,
        %parallel_loop3A_187 = vector.shape_cast %parallel_loop3A_186 : vector<1x16xf32> to vector<16xf32>
        %parallel_loop3A_188 = arith.constant 1 : i32
        %parallel_loop3A_189 = arith.addi %parallel_loop3A_181, %parallel_loop3A_188 : i32
        %parallel_loop3A_190 = arith.index_cast %parallel_loop3A_189 : i32 to index
        %parallel_loop3A_191 = arith.index_cast %parallel_loop3A_179 : i32 to index
        %parallel_loop3A_192 = tpu.vector_load %arg6[%parallel_loop3A_190, %parallel_loop3A_191] {strides = array<i32>} : memref<128x256xf32, #tpu.memory_space<vmem>>, vector<1x16xf32>,
        %parallel_loop3A_193 = vector.shape_cast %parallel_loop3A_192 : vector<1x16xf32> to vector<16xf32>
        %parallel_loop3A_194 = arith.maximumf %parallel_loop3A_187, %parallel_loop3A_193 : vector<16xf32>
        %parallel_loop3A_195 = arith.constant 2 : i32
        %parallel_loop3A_196 = arith.addi %parallel_loop3A_181, %parallel_loop3A_195 : i32
        %parallel_loop3A_197 = arith.index_cast %parallel_loop3A_196 : i32 to index
        %parallel_loop3A_198 = arith.index_cast %parallel_loop3A_179 : i32 to index
        %parallel_loop3A_199 = tpu.vector_load %arg6[%parallel_loop3A_197, %parallel_loop3A_198] {strides = array<i32>} : memref<128x256xf32, #tpu.memory_space<vmem>>, vector<1x16xf32>,
        %parallel_loop3A_200 = vector.shape_cast %parallel_loop3A_199 : vector<1x16xf32> to vector<16xf32>
        %parallel_loop3A_201 = arith.constant 3 : i32
        %parallel_loop3A_202 = arith.addi %parallel_loop3A_181, %parallel_loop3A_201 : i32
        %parallel_loop3A_203 = arith.index_cast %parallel_loop3A_202 : i32 to index
        %parallel_loop3A_204 = arith.index_cast %parallel_loop3A_179 : i32 to index
        %parallel_loop3A_205 = tpu.vector_load %arg6[%parallel_loop3A_203, %parallel_loop3A_204] {strides = array<i32>} : memref<128x256xf32, #tpu.memory_space<vmem>>, vector<1x16xf32>,
        %parallel_loop3A_206 = vector.shape_cast %parallel_loop3A_205 : vector<1x16xf32> to vector<16xf32>
        %parallel_loop3A_207 = arith.maximumf %parallel_loop3A_200, %parallel_loop3A_206 : vector<16xf32>
        %parallel_loop3A_208 = arith.constant 4 : i32
        %parallel_loop3A_209 = arith.addi %parallel_loop3A_181, %parallel_loop3A_208 : i32
        %parallel_loop3A_210 = arith.index_cast %parallel_loop3A_209 : i32 to index
        %parallel_loop3A_211 = arith.index_cast %parallel_loop3A_179 : i32 to index
        %parallel_loop3A_212 = tpu.vector_load %arg6[%parallel_loop3A_210, %parallel_loop3A_211] {strides = array<i32>} : memref<128x256xf32, #tpu.memory_space<vmem>>, vector<1x16xf32>,
        %parallel_loop3A_213 = vector.shape_cast %parallel_loop3A_212 : vector<1x16xf32> to vector<16xf32>
        %parallel_loop3A_214 = arith.constant 5 : i32
        %parallel_loop3A_215 = arith.addi %parallel_loop3A_181, %parallel_loop3A_214 : i32
        %parallel_loop3A_216 = arith.index_cast %parallel_loop3A_215 : i32 to index
        %parallel_loop3A_217 = arith.index_cast %parallel_loop3A_179 : i32 to index
        %parallel_loop3A_218 = tpu.vector_load %arg6[%parallel_loop3A_216, %parallel_loop3A_217] {strides = array<i32>} : memref<128x256xf32, #tpu.memory_space<vmem>>, vector<1x16xf32>,
        %parallel_loop3A_219 = vector.shape_cast %parallel_loop3A_218 : vector<1x16xf32> to vector<16xf32>
        %parallel_loop3A_220 = arith.maximumf %parallel_loop3A_213, %parallel_loop3A_219 : vector<16xf32>
        %parallel_loop3A_221 = arith.constant 6 : i32
        %parallel_loop3A_222 = arith.addi %parallel_loop3A_181, %parallel_loop3A_221 : i32
        %parallel_loop3A_223 = arith.index_cast %parallel_loop3A_222 : i32 to index
        %parallel_loop3A_224 = arith.index_cast %parallel_loop3A_179 : i32 to index
        %parallel_loop3A_225 = tpu.vector_load %arg6[%parallel_loop3A_223, %parallel_loop3A_224] {strides = array<i32>} : memref<128x256xf32, #tpu.memory_space<vmem>>, vector<1x16xf32>,
        %parallel_loop3A_226 = vector.shape_cast %parallel_loop3A_225 : vector<1x16xf32> to vector<16xf32>
        %parallel_loop3A_227 = arith.constant 7 : i32
        %parallel_loop3A_228 = arith.addi %parallel_loop3A_181, %parallel_loop3A_227 : i32
        %parallel_loop3A_229 = arith.index_cast %parallel_loop3A_228 : i32 to index
        %parallel_loop3A_230 = arith.index_cast %parallel_loop3A_179 : i32 to index
        %parallel_loop3A_231 = tpu.vector_load %arg6[%parallel_loop3A_229, %parallel_loop3A_230] {strides = array<i32>} : memref<128x256xf32, #tpu.memory_space<vmem>>, vector<1x16xf32>,
        %parallel_loop3A_232 = vector.shape_cast %parallel_loop3A_231 : vector<1x16xf32> to vector<16xf32>
        %parallel_loop3A_233 = arith.maximumf %parallel_loop3A_226, %parallel_loop3A_232 : vector<16xf32>
        %parallel_loop3A_234 = arith.maximumf %parallel_loop3A_194, %parallel_loop3A_207 : vector<16xf32>
        %parallel_loop3A_235 = arith.maximumf %parallel_loop3A_220, %parallel_loop3A_233 : vector<16xf32>
        %parallel_loop3A_236 = arith.maximumf %parallel_loop3A_234, %parallel_loop3A_235 : vector<16xf32>
        %parallel_loop3A_237 = arith.index_cast %parallel_loop3A_161 : i32 to index
        %parallel_loop3A_238 = arith.index_cast %parallel_loop3A_179 : i32 to index
        %parallel_loop3A_239 = tpu.vector_load %arg8[%parallel_loop3A_237, %parallel_loop3A_238] {strides = array<i32>} : memref<16x256xf32, #tpu.memory_space<vmem>>, vector<1x16xf32>,
        %parallel_loop3A_240 = vector.shape_cast %parallel_loop3A_239 : vector<1x16xf32> to vector<16xf32>
        %parallel_loop3A_241 = vector.shape_cast %parallel_loop3A_236 : vector<16xf32> to vector<1x16xf32>
        tpu.vector_store %arg8[%parallel_loop3A_237, %parallel_loop3A_238], %parallel_loop3A_241 {strides = array<i32>} : memref<16x256xf32, #tpu.memory_space<vmem>>, vector<1x16xf32>,
      } {sc.loop_unroll_factor = 4 : i64, sc.parallel_access}
      %add3A_87 = arith.constant 2 : i32
      %add3A_88 = arith.addi %add3A_72, %add3A_87 : i32
      %lt3A_89 = arith.constant 64 : i32
      %lt3A_90 = arith.cmpi slt, %add3A_88, %lt3A_89 : i32
      %convert_element_type3A_91 = arith.extui %lt3A_90 : i1 to i32
      %cond3A_92 = arith.constant 0 : i32
      %cond3A_93 = arith.cmpi ne, %convert_element_type3A_91, %cond3A_92 : i32
      scf.if %cond3A_93 {
        %add3A_137 = arith.constant 2 : i32
        %add3A_138 = arith.addi %add3A_72, %add3A_137 : i32
        %mul3A_139 = arith.constant 128 : i32
        %mul3A_140 = arith.muli %add3A_138, %mul3A_139 : i32
        %dma_start3A_141 = tpu.memref_slice %arg5[%mul3A_140] : memref<8192xi32, #tpu.memory_space<vmem>> -> memref<128xi32, #tpu.memory_space<vmem>>
        %dma_start3A_142 = arith.constant 0 : i32
        %dma_start3A_143 = arith.constant 0 : i32
        %dma_start3A_144 = tpu.memref_slice %arg2[%select_n3A, %dma_start3A_142, %dma_start3A_143] : memref<4x65536x256xf32, #tpu.memory_space<hbm>> -> memref<1x65536x256xf32, #tpu.memory_space<hbm>>
        %dma_start3A_145 = tpu.memref_squeeze %dma_start3A_144 : memref<1x65536x256xf32, #tpu.memory_space<hbm>> -> memref<65536x256xf32, #tpu.memory_space<hbm>>
        %dma_start3A_146 = arith.constant 0 : i32
        %dma_start3A_147 = arith.constant 0 : i32
        %dma_start3A_148 = tpu.memref_slice %dma_start3A_145[%dma_start3A_146, %dma_start3A_147] : memref<65536x256xf32, #tpu.memory_space<hbm>> -> memref<65536x256xf32, #tpu.memory_space<hbm>>
        tpu.enqueue_indirect_dma source(%dma_start3A_148 : memref<65536x256xf32, #tpu.memory_space<hbm>>) target(%arg6 : memref<128x256xf32, #tpu.memory_space<vmem>>) offsets(%dma_start3A_141 : memref<128xi32, #tpu.memory_space<vmem>>) semaphore(%arg10 : memref<!tpu.dma_semaphore, #tpu.memory_space<semaphore_mem>>)
      } else {
      }
      %mul3A_94 = arith.constant 16 : i32
      %mul3A_95 = arith.muli %add3A_72, %mul3A_94 : i32
      %add3A_96 = arith.addi %mul3A_2, %mul3A_95 : i32
      %dma_start3A_97 = arith.constant 0 : i32
      %dma_start3A_98 = tpu.memref_slice %arg4[%add3A_96, %dma_start3A_97] : memref<32768x256xf32, #tpu.memory_space<hbm>> -> memref<16x256xf32, #tpu.memory_space<hbm>>
      %dma_start3A_99 = arith.constant 0 : i32
      %dma_start3A_100 = tpu.memref_slice %arg4[%add3A_96, %dma_start3A_99] : memref<32768x256xf32, #tpu.memory_space<hbm>> -> memref<16x256xf32, #tpu.memory_space<hbm>>
      tpu.enqueue_dma source(%arg8 : memref<16x256xf32, #tpu.memory_space<vmem>>) target(%dma_start3A_100 : memref<16x256xf32, #tpu.memory_space<hbm>>) target_semaphore(%arg12 : memref<!tpu.dma_semaphore, #tpu.memory_space<semaphore_mem>>)
      %mul3A_101 = arith.constant 2 : i32
      %mul3A_102 = arith.muli %scan3A_68, %mul3A_101 : i32
      %add3A_103 = arith.constant 1 : i32
      %add3A_104 = arith.addi %mul3A_102, %add3A_103 : i32
      %mul3A_105 = arith.constant 128 : i32
      %mul3A_106 = arith.muli %add3A_104, %mul3A_105 : i32
      %dma_wait3A_107 = tpu.memref_slice %arg5[%mul3A_106] : memref<8192xi32, #tpu.memory_space<vmem>> -> memref<128xi32, #tpu.memory_space<vmem>>
      %dma_wait3A_108 = arith.constant 0 : i32
      %dma_wait3A_109 = arith.constant 0 : i32
      %dma_wait3A_110 = tpu.memref_slice %arg2[%select_n3A, %dma_wait3A_108, %dma_wait3A_109] : memref<4x65536x256xf32, #tpu.memory_space<hbm>> -> memref<1x65536x256xf32, #tpu.memory_space<hbm>>
      %dma_wait3A_111 = tpu.memref_squeeze %dma_wait3A_110 : memref<1x65536x256xf32, #tpu.memory_space<hbm>> -> memref<65536x256xf32, #tpu.memory_space<hbm>>
      %dma_wait3A_112 = arith.constant 0 : i32
      %dma_wait3A_113 = arith.constant 0 : i32
      %dma_wait3A_114 = tpu.memref_slice %dma_wait3A_111[%dma_wait3A_112, %dma_wait3A_113] : memref<65536x256xf32, #tpu.memory_space<hbm>> -> memref<65536x256xf32, #tpu.memory_space<hbm>>
      tpu.wait_indirect_dma semaphore(%arg11 : memref<!tpu.dma_semaphore, #tpu.memory_space<semaphore_mem>>) src(%dma_wait3A_114 : memref<65536x256xf32, #tpu.memory_space<hbm>>) dst(%arg7 : memref<128x256xf32, #tpu.memory_space<vmem>>)
      %gt3A_115 = arith.constant 0 : i32
      %gt3A_116 = arith.cmpi sgt, %scan3A_68, %gt3A_115 : i32
      %convert_element_type3A_117 = arith.extui %gt3A_116 : i1 to i32
      %cond3A_118 = arith.constant 0 : i32
      %cond3A_119 = arith.cmpi ne, %convert_element_type3A_117, %cond3A_118 : i32
      scf.if %cond3A_119 {
        %sub3A_137 = arith.constant 2 : i32
        %sub3A_138 = arith.subi %add3A_104, %sub3A_137 : i32
        %mul3A_139 = arith.constant 16 : i32
        %mul3A_140 = arith.muli %sub3A_138, %mul3A_139 : i32
        %add3A_141 = arith.addi %mul3A_2, %mul3A_140 : i32
        %dma_wait3A_142 = arith.constant 0 : i32
        %dma_wait3A_143 = tpu.memref_slice %arg4[%add3A_141, %dma_wait3A_142] : memref<32768x256xf32, #tpu.memory_space<hbm>> -> memref<16x256xf32, #tpu.memory_space<hbm>>
        %dma_wait3A_144 = arith.constant 0 : i32
        %dma_wait3A_145 = tpu.memref_slice %arg4[%add3A_141, %dma_wait3A_144] : memref<32768x256xf32, #tpu.memory_space<hbm>> -> memref<16x256xf32, #tpu.memory_space<hbm>>
        tpu.wait_dma2 semaphore(%arg13 : memref<!tpu.dma_semaphore, #tpu.memory_space<semaphore_mem>>) src(%arg9 : memref<16x256xf32, #tpu.memory_space<vmem>>) dst(%dma_wait3A_145 : memref<16x256xf32, #tpu.memory_space<hbm>>)
      } else {
      }
      %parallel_loop3A_120 = arith.constant 0 : i32
      %parallel_loop3A_121 = arith.constant 256 : i32
      %parallel_loop3A_122 = arith.constant 1 : i32
      scf.for %parallel_loop3A_137 = %parallel_loop3A_120 to %parallel_loop3A_121 step %parallel_loop3A_122  : i32 {
        %parallel_loop3A_138 = arith.constant 16 : i32
        %parallel_loop3A_139 = arith.divsi %parallel_loop3A_137, %parallel_loop3A_138 : i32
        %parallel_loop3A_140 = arith.constant 0 : i32
        %parallel_loop3A_141 = arith.cmpi sgt, %parallel_loop3A_137, %parallel_loop3A_140 : i32
        %parallel_loop3A_142 = arith.extui %parallel_loop3A_141 : i1 to i32
        %parallel_loop3A_143 = arith.constant 0 : i32
        %parallel_loop3A_144 = arith.cmpi slt, %parallel_loop3A_137, %parallel_loop3A_143 : i32
        %parallel_loop3A_145 = arith.extui %parallel_loop3A_144 : i1 to i32
        %parallel_loop3A_146 = arith.subi %parallel_loop3A_142, %parallel_loop3A_145 : i32
        %parallel_loop3A_147 = arith.constant 0 : i32
        %parallel_loop3A_148 = arith.cmpi sgt, %parallel_loop3A_138, %parallel_loop3A_147 : i32
        %parallel_loop3A_149 = arith.extui %parallel_loop3A_148 : i1 to i32
        %parallel_loop3A_150 = arith.constant 0 : i32
        %parallel_loop3A_151 = arith.cmpi slt, %parallel_loop3A_138, %parallel_loop3A_150 : i32
        %parallel_loop3A_152 = arith.extui %parallel_loop3A_151 : i1 to i32
        %parallel_loop3A_153 = arith.subi %parallel_loop3A_149, %parallel_loop3A_152 : i32
        %parallel_loop3A_154 = arith.cmpi ne, %parallel_loop3A_146, %parallel_loop3A_153 : i32
        %parallel_loop3A_155 = arith.remsi %parallel_loop3A_137, %parallel_loop3A_138 : i32
        %parallel_loop3A_156 = arith.constant 0 : i32
        %parallel_loop3A_157 = arith.cmpi ne, %parallel_loop3A_155, %parallel_loop3A_156 : i32
        %parallel_loop3A_158 = arith.andi %parallel_loop3A_154, %parallel_loop3A_157 : i1
        %parallel_loop3A_159 = arith.constant 1 : i32
        %parallel_loop3A_160 = arith.subi %parallel_loop3A_139, %parallel_loop3A_159 : i32
        %parallel_loop3A_161 = arith.select %parallel_loop3A_158, %parallel_loop3A_160, %parallel_loop3A_139 : i32
        %parallel_loop3A_162 = arith.constant 16 : i32
        %parallel_loop3A_163 = arith.constant 0 : i32
        %parallel_loop3A_164 = arith.cmpi eq, %parallel_loop3A_162, %parallel_loop3A_163 : i32
        %parallel_loop3A_165 = arith.constant 1 : i32
        %parallel_loop3A_166 = arith.select %parallel_loop3A_164, %parallel_loop3A_165, %parallel_loop3A_162 : i32
        %parallel_loop3A_167 = arith.remsi %parallel_loop3A_137, %parallel_loop3A_166 : i32
        %parallel_loop3A_168 = arith.constant 0 : i32
        %parallel_loop3A_169 = arith.cmpi ne, %parallel_loop3A_167, %parallel_loop3A_168 : i32
        %parallel_loop3A_170 = arith.constant 0 : i32
        %parallel_loop3A_171 = arith.cmpi slt, %parallel_loop3A_167, %parallel_loop3A_170 : i32
        %parallel_loop3A_172 = arith.constant 0 : i32
        %parallel_loop3A_173 = arith.cmpi slt, %parallel_loop3A_166, %parallel_loop3A_172 : i32
        %parallel_loop3A_174 = arith.xori %parallel_loop3A_171, %parallel_loop3A_173 : i1
        %parallel_loop3A_175 = arith.andi %parallel_loop3A_174, %parallel_loop3A_169 : i1
        %parallel_loop3A_176 = arith.addi %parallel_loop3A_167, %parallel_loop3A_166 : i32
        %parallel_loop3A_177 = arith.select %parallel_loop3A_175, %parallel_loop3A_176, %parallel_loop3A_167 : i32
        %parallel_loop3A_178 = arith.constant 16 : i32
        %parallel_loop3A_179 = arith.muli %parallel_loop3A_177, %parallel_loop3A_178 : i32
        %parallel_loop3A_180 = arith.constant 8 : i32
        %parallel_loop3A_181 = arith.muli %parallel_loop3A_161, %parallel_loop3A_180 : i32
        %parallel_loop3A_182 = arith.constant 0 : i32
        %parallel_loop3A_183 = arith.addi %parallel_loop3A_181, %parallel_loop3A_182 : i32
        %parallel_loop3A_184 = arith.index_cast %parallel_loop3A_183 : i32 to index
        %parallel_loop3A_185 = arith.index_cast %parallel_loop3A_179 : i32 to index
        %parallel_loop3A_186 = tpu.vector_load %arg7[%parallel_loop3A_184, %parallel_loop3A_185] {strides = array<i32>} : memref<128x256xf32, #tpu.memory_space<vmem>>, vector<1x16xf32>,
        %parallel_loop3A_187 = vector.shape_cast %parallel_loop3A_186 : vector<1x16xf32> to vector<16xf32>
        %parallel_loop3A_188 = arith.constant 1 : i32
        %parallel_loop3A_189 = arith.addi %parallel_loop3A_181, %parallel_loop3A_188 : i32
        %parallel_loop3A_190 = arith.index_cast %parallel_loop3A_189 : i32 to index
        %parallel_loop3A_191 = arith.index_cast %parallel_loop3A_179 : i32 to index
        %parallel_loop3A_192 = tpu.vector_load %arg7[%parallel_loop3A_190, %parallel_loop3A_191] {strides = array<i32>} : memref<128x256xf32, #tpu.memory_space<vmem>>, vector<1x16xf32>,
        %parallel_loop3A_193 = vector.shape_cast %parallel_loop3A_192 : vector<1x16xf32> to vector<16xf32>
        %parallel_loop3A_194 = arith.maximumf %parallel_loop3A_187, %parallel_loop3A_193 : vector<16xf32>
        %parallel_loop3A_195 = arith.constant 2 : i32
        %parallel_loop3A_196 = arith.addi %parallel_loop3A_181, %parallel_loop3A_195 : i32
        %parallel_loop3A_197 = arith.index_cast %parallel_loop3A_196 : i32 to index
        %parallel_loop3A_198 = arith.index_cast %parallel_loop3A_179 : i32 to index
        %parallel_loop3A_199 = tpu.vector_load %arg7[%parallel_loop3A_197, %parallel_loop3A_198] {strides = array<i32>} : memref<128x256xf32, #tpu.memory_space<vmem>>, vector<1x16xf32>,
        %parallel_loop3A_200 = vector.shape_cast %parallel_loop3A_199 : vector<1x16xf32> to vector<16xf32>
        %parallel_loop3A_201 = arith.constant 3 : i32
        %parallel_loop3A_202 = arith.addi %parallel_loop3A_181, %parallel_loop3A_201 : i32
        %parallel_loop3A_203 = arith.index_cast %parallel_loop3A_202 : i32 to index
        %parallel_loop3A_204 = arith.index_cast %parallel_loop3A_179 : i32 to index
        %parallel_loop3A_205 = tpu.vector_load %arg7[%parallel_loop3A_203, %parallel_loop3A_204] {strides = array<i32>} : memref<128x256xf32, #tpu.memory_space<vmem>>, vector<1x16xf32>,
        %parallel_loop3A_206 = vector.shape_cast %parallel_loop3A_205 : vector<1x16xf32> to vector<16xf32>
        %parallel_loop3A_207 = arith.maximumf %parallel_loop3A_200, %parallel_loop3A_206 : vector<16xf32>
        %parallel_loop3A_208 = arith.constant 4 : i32
        %parallel_loop3A_209 = arith.addi %parallel_loop3A_181, %parallel_loop3A_208 : i32
        %parallel_loop3A_210 = arith.index_cast %parallel_loop3A_209 : i32 to index
        %parallel_loop3A_211 = arith.index_cast %parallel_loop3A_179 : i32 to index
        %parallel_loop3A_212 = tpu.vector_load %arg7[%parallel_loop3A_210, %parallel_loop3A_211] {strides = array<i32>} : memref<128x256xf32, #tpu.memory_space<vmem>>, vector<1x16xf32>,
        %parallel_loop3A_213 = vector.shape_cast %parallel_loop3A_212 : vector<1x16xf32> to vector<16xf32>
        %parallel_loop3A_214 = arith.constant 5 : i32
        %parallel_loop3A_215 = arith.addi %parallel_loop3A_181, %parallel_loop3A_214 : i32
        %parallel_loop3A_216 = arith.index_cast %parallel_loop3A_215 : i32 to index
        %parallel_loop3A_217 = arith.index_cast %parallel_loop3A_179 : i32 to index
        %parallel_loop3A_218 = tpu.vector_load %arg7[%parallel_loop3A_216, %parallel_loop3A_217] {strides = array<i32>} : memref<128x256xf32, #tpu.memory_space<vmem>>, vector<1x16xf32>,
        %parallel_loop3A_219 = vector.shape_cast %parallel_loop3A_218 : vector<1x16xf32> to vector<16xf32>
        %parallel_loop3A_220 = arith.maximumf %parallel_loop3A_213, %parallel_loop3A_219 : vector<16xf32>
        %parallel_loop3A_221 = arith.constant 6 : i32
        %parallel_loop3A_222 = arith.addi %parallel_loop3A_181, %parallel_loop3A_221 : i32
        %parallel_loop3A_223 = arith.index_cast %parallel_loop3A_222 : i32 to index
        %parallel_loop3A_224 = arith.index_cast %parallel_loop3A_179 : i32 to index
        %parallel_loop3A_225 = tpu.vector_load %arg7[%parallel_loop3A_223, %parallel_loop3A_224] {strides = array<i32>} : memref<128x256xf32, #tpu.memory_space<vmem>>, vector<1x16xf32>,
        %parallel_loop3A_226 = vector.shape_cast %parallel_loop3A_225 : vector<1x16xf32> to vector<16xf32>
        %parallel_loop3A_227 = arith.constant 7 : i32
        %parallel_loop3A_228 = arith.addi %parallel_loop3A_181, %parallel_loop3A_227 : i32
        %parallel_loop3A_229 = arith.index_cast %parallel_loop3A_228 : i32 to index
        %parallel_loop3A_230 = arith.index_cast %parallel_loop3A_179 : i32 to index
        %parallel_loop3A_231 = tpu.vector_load %arg7[%parallel_loop3A_229, %parallel_loop3A_230] {strides = array<i32>} : memref<128x256xf32, #tpu.memory_space<vmem>>, vector<1x16xf32>,
        %parallel_loop3A_232 = vector.shape_cast %parallel_loop3A_231 : vector<1x16xf32> to vector<16xf32>
        %parallel_loop3A_233 = arith.maximumf %parallel_loop3A_226, %parallel_loop3A_232 : vector<16xf32>
        %parallel_loop3A_234 = arith.maximumf %parallel_loop3A_194, %parallel_loop3A_207 : vector<16xf32>
        %parallel_loop3A_235 = arith.maximumf %parallel_loop3A_220, %parallel_loop3A_233 : vector<16xf32>
        %parallel_loop3A_236 = arith.maximumf %parallel_loop3A_234, %parallel_loop3A_235 : vector<16xf32>
        %parallel_loop3A_237 = arith.index_cast %parallel_loop3A_161 : i32 to index
        %parallel_loop3A_238 = arith.index_cast %parallel_loop3A_179 : i32 to index
        %parallel_loop3A_239 = tpu.vector_load %arg9[%parallel_loop3A_237, %parallel_loop3A_238] {strides = array<i32>} : memref<16x256xf32, #tpu.memory_space<vmem>>, vector<1x16xf32>,
        %parallel_loop3A_240 = vector.shape_cast %parallel_loop3A_239 : vector<1x16xf32> to vector<16xf32>
        %parallel_loop3A_241 = vector.shape_cast %parallel_loop3A_236 : vector<16xf32> to vector<1x16xf32>
        tpu.vector_store %arg9[%parallel_loop3A_237, %parallel_loop3A_238], %parallel_loop3A_241 {strides = array<i32>} : memref<16x256xf32, #tpu.memory_space<vmem>>, vector<1x16xf32>,
      } {sc.loop_unroll_factor = 4 : i64, sc.parallel_access}
      %add3A_123 = arith.constant 2 : i32
      %add3A_124 = arith.addi %add3A_104, %add3A_123 : i32
      %lt3A_125 = arith.constant 64 : i32
      %lt3A_126 = arith.cmpi slt, %add3A_124, %lt3A_125 : i32
      %convert_element_type3A_127 = arith.extui %lt3A_126 : i1 to i32
      %cond3A_128 = arith.constant 0 : i32
      %cond3A_129 = arith.cmpi ne, %convert_element_type3A_127, %cond3A_128 : i32
      scf.if %cond3A_129 {
        %add3A_137 = arith.constant 2 : i32
        %add3A_138 = arith.addi %add3A_104, %add3A_137 : i32
        %mul3A_139 = arith.constant 128 : i32
        %mul3A_140 = arith.muli %add3A_138, %mul3A_139 : i32
        %dma_start3A_141 = tpu.memref_slice %arg5[%mul3A_140] : memref<8192xi32, #tpu.memory_space<vmem>> -> memref<128xi32, #tpu.memory_space<vmem>>
        %dma_start3A_142 = arith.constant 0 : i32
        %dma_start3A_143 = arith.constant 0 : i32
        %dma_start3A_144 = tpu.memref_slice %arg2[%select_n3A, %dma_start3A_142, %dma_start3A_143] : memref<4x65536x256xf32, #tpu.memory_space<hbm>> -> memref<1x65536x256xf32, #tpu.memory_space<hbm>>
        %dma_start3A_145 = tpu.memref_squeeze %dma_start3A_144 : memref<1x65536x256xf32, #tpu.memory_space<hbm>> -> memref<65536x256xf32, #tpu.memory_space<hbm>>
        %dma_start3A_146 = arith.constant 0 : i32
        %dma_start3A_147 = arith.constant 0 : i32
        %dma_start3A_148 = tpu.memref_slice %dma_start3A_145[%dma_start3A_146, %dma_start3A_147] : memref<65536x256xf32, #tpu.memory_space<hbm>> -> memref<65536x256xf32, #tpu.memory_space<hbm>>
        tpu.enqueue_indirect_dma source(%dma_start3A_148 : memref<65536x256xf32, #tpu.memory_space<hbm>>) target(%arg7 : memref<128x256xf32, #tpu.memory_space<vmem>>) offsets(%dma_start3A_141 : memref<128xi32, #tpu.memory_space<vmem>>) semaphore(%arg11 : memref<!tpu.dma_semaphore, #tpu.memory_space<semaphore_mem>>)
      } else {
      }
      %mul3A_130 = arith.constant 16 : i32
      %mul3A_131 = arith.muli %add3A_104, %mul3A_130 : i32
      %add3A_132 = arith.addi %mul3A_2, %mul3A_131 : i32
      %dma_start3A_133 = arith.constant 0 : i32
      %dma_start3A_134 = tpu.memref_slice %arg4[%add3A_132, %dma_start3A_133] : memref<32768x256xf32, #tpu.memory_space<hbm>> -> memref<16x256xf32, #tpu.memory_space<hbm>>
      %dma_start3A_135 = arith.constant 0 : i32
      %dma_start3A_136 = tpu.memref_slice %arg4[%add3A_132, %dma_start3A_135] : memref<32768x256xf32, #tpu.memory_space<hbm>> -> memref<16x256xf32, #tpu.memory_space<hbm>>
      tpu.enqueue_dma source(%arg9 : memref<16x256xf32, #tpu.memory_space<vmem>>) target(%dma_start3A_136 : memref<16x256xf32, #tpu.memory_space<hbm>>) target_semaphore(%arg13 : memref<!tpu.dma_semaphore, #tpu.memory_space<semaphore_mem>>)
    }
    %scan3A_56 = arith.constant 32 : i32
    %add3A_57 = arith.constant 992 : i32
    %add3A_58 = arith.addi %mul3A_2, %add3A_57 : i32
    %dma_wait3A = arith.constant 0 : i32
    %dma_wait3A_59 = tpu.memref_slice %arg4[%add3A_58, %dma_wait3A] : memref<32768x256xf32, #tpu.memory_space<hbm>> -> memref<16x256xf32, #tpu.memory_space<hbm>>
    %dma_wait3A_60 = arith.constant 0 : i32
    %dma_wait3A_61 = tpu.memref_slice %arg4[%add3A_58, %dma_wait3A_60] : memref<32768x256xf32, #tpu.memory_space<hbm>> -> memref<16x256xf32, #tpu.memory_space<hbm>>
    tpu.wait_dma2 semaphore(%arg12 : memref<!tpu.dma_semaphore, #tpu.memory_space<semaphore_mem>>) src(%arg8 : memref<16x256xf32, #tpu.memory_space<vmem>>) dst(%dma_wait3A_61 : memref<16x256xf32, #tpu.memory_space<hbm>>)
    %add3A_62 = arith.constant 1008 : i32
    %add3A_63 = arith.addi %mul3A_2, %add3A_62 : i32
    %dma_wait3A_64 = arith.constant 0 : i32
    %dma_wait3A_65 = tpu.memref_slice %arg4[%add3A_63, %dma_wait3A_64] : memref<32768x256xf32, #tpu.memory_space<hbm>> -> memref<16x256xf32, #tpu.memory_space<hbm>>
    %dma_wait3A_66 = arith.constant 0 : i32
    %dma_wait3A_67 = tpu.memref_slice %arg4[%add3A_63, %dma_wait3A_66] : memref<32768x256xf32, #tpu.memory_space<hbm>> -> memref<16x256xf32, #tpu.memory_space<hbm>>
    tpu.wait_dma2 semaphore(%arg13 : memref<!tpu.dma_semaphore, #tpu.memory_space<semaphore_mem>>) src(%arg9 : memref<16x256xf32, #tpu.memory_space<vmem>>) dst(%dma_wait3A_67 : memref<16x256xf32, #tpu.memory_space<hbm>>)
    return
  }
}

</mosaic_0001>

<sc_bundles>
// kernel: kernel.3.cloned.1.call-start
scs
__scs_entry_jumppad:
0x0: {  	(pc) =	sbr.rel $0x88, $3  }
0x1: {  	(tag) =	ssettag $0x0;
	lr =	simm.s32 $0x1  }
0x2: {  	[smem:$0x3F9F] =	sst lr;
	_ =	strace $0xD0000000  }
0x3: {  	_ = 	snop  }
0x4: {  	_ = 	snop  }
0x5: {  	_ = 	snop  }
0x6: {  	_ = 	snop  }
0x7: {  	_ = 	snop  }
__scs_overlays_trampoline_lowered:
0x8: {  	[smem:$0x3FAE] =	sst s0  }
0x9: {  	[smem:$0x3FAF] =	sst s1  }
0xa: {  	[smem:$0x3FB0] =	sst s2  }
0xb: {  	[smem:$0x3FB1] =	sst s3  }
0xc: {  	[smem:$0x3FB2] =	sst s4  }
0xd: {  	[smem:$0x3FB3] =	sst s5  }
0xe: {  	[smem:$0x3FB4] =	sst s6  }
0xf: {  	[smem:$0x3FB5] =	sst s7  }
0x10: {  	[smem:$0x3FB6] =	sst s8  }
0x11: {  	[smem:$0x3FB7] =	sst s9;
	s0 =	simm.s32 @!p0 $0x0  }
0x12: {  	s1 =	sld [smem:$0x3F9D];
	s0 =	simm.s32 @p0 $0x1  }
0x13: {  	[smem:$0x3FB8] =	sst s0;
	s0 =	simm.s32 @!p1 $0x0  }
0x14: {  	s2 =	sld [smem:$0x3F9C];
	s0 =	simm.s32 @p1 $0x1  }
0x15: {  	[smem:$0x3FB9] =	sst s0;
	s0 =	simm.s32 @!p2 $0x0  }
0x16: {  	s3 =	sld [smem:$0x3FDB];
	s0 =	simm.s32 @p2 $0x1  }
0x17: {  	s4 =	simm.s32 $0x1BF5;
	[smem:$0x3FBB] =	sst s0  }
0x18: {  	s0 =	sld [smem:$0x3F9E];
	_ =	swait.ge [sflag:s4], $0x0  }
0x19: {  	s7 =	sld [smem:$0x3F9F]  }
0x1a: {  	s8 =	sadd.s32 $0xFFFFE003, lr  }
0x1b: {  	s9 =	sadd.s32 $0xFFFFFEF7, lr;
	s5 =	simm.s32 $0xFFFFFFFF;
	p2 =	slt.u32 s8, $0xFFFFF086  }
0x1c: {  	p1 =	slt.u32 s9, $0xF7A;
	s5 =	simm.s32 @!p2 $0x0  }
0x1d: {  	s5 =	simm.s32 @p1 $0x1;
	p0 =	seq.s32 s7, s2  }
0x1e: {  	s7 =	smul.u32 @!p0 $0xF7A, s2;
	p2 =	seq.s32 @!p0 s5, $0x0  }
0x1f: {  	s9 =	smul.u32 $0xF7A, s1;
	s8 =	simm.s32 @!p0 $0x1BF5;
	p2 =	por !p2, p0  }
0x20: {  	[sflag:s8] =	ssyncset.s32 @!p0 $0xFFFFF086;
	s6 =	sadd.s32 @!p0 s3, s7;
	s7 =	simm.s32 @!p0 $0x108  }
0x21: {  	s3 =	sadd.s32 s3, s9;
	s6 =	sadd.s32 @!p0 $0x88, s6;
	s7 =	simm.s32 @p2 $0x1082  }
0x22: {  	[simem:s7], [sflag:s8] =	dma.local @!p0 [hbm:s6], $0xF7A  }
0x23: {  	s9 =	sor.u32 $0xD0000000, s2;
	s6 =	simm.s32 $0x108;
	_ =	swait.ge @!p0 [sflag:s8], $0x0  }
0x24: {  	s3 =	sadd.s32 $0x88, s3;
	s6 =	simm.s32 @!p1 $0x1082;
	[sflag:s4] =	ssyncset.s32 $0xFFFFF086  }
0x25: {  	[simem:s6], [sflag:s4] =	dma.local [hbm:s3], $0xF7A  }
0x26: {  	[smem:$0x3F9F] =	sst s1;
	(tag) =	ssettag s2;
	_ =	strace s9  }
0x27: {  	s1 =	sld [smem:$0x3FAF]  }
0x28: {  	s2 =	sld [smem:$0x3FB0]  }
0x29: {  	s4 =	sld [smem:$0x3FB2]  }
0x2a: {  	p0 =	seq.s32 s5, $0x0;
	s5 =	sld [smem:$0x3FB3]  }
0x2b: {  	s6 =	sld [smem:$0x3FB4]  }
0x2c: {  	s7 =	sld [smem:$0x3FB5]  }
0x2d: {  	s3 =	simm.s32 $0x108;
	s8 =	sld [smem:$0x3FB6]  }
0x2e: {  	s3 =	simm.s32 @!p0 $0x1082;
	s9 =	sld [smem:$0x3FB7]  }
0x2f: {  	lr =	sadd.s32 s0, s3;
	s0 =	sld [smem:$0x3FAE]  }
0x30: {  	s3 =	sld [smem:$0x3FB1]  }
0x31: {  	[smem:$0x3FBA] =	sst s10  }
0x32: {  	s10 =	sld [smem:$0x3FB8];
	_ =	sdelay $0x3  }
0x33: {  	p0 =	seq.s32 s10, $0x1;
	s10 =	sld [smem:$0x3FBA];
	_ =	sdelay $0x3  }
0x34: {  	[smem:$0x3FBA] =	sst s10  }
0x35: {  	s10 =	sld [smem:$0x3FB9];
	_ =	sdelay $0x3  }
0x36: {  	p1 =	seq.s32 s10, $0x1;
	s10 =	sld [smem:$0x3FBA];
	_ =	sdelay $0x3  }
0x37: {  	[smem:$0x3FBA] =	sst s10  }
0x38: {  	s10 =	sld [smem:$0x3FBB]  }
0x39: {  	_ = 	snop;
	(pc) =	sbr.ind lr, $3  }
0x3a: {  	_ = 	snop  }
0x3b: {  	_ = 	snop  }
0x3c: {  	p2 =	seq.s32 s10, $0x1;
	s10 =	sld [smem:$0x3FBA]  }
0x3d: {  	_ =	shalt  }
0x3e: {  	_ =	shalt  }
0x3f: {  	_ =	shalt  }
0x40: {  	_ =	shalt  }
0x41: {  	_ =	shalt  }
0x42: {  	_ =	shalt  }
0x43: {  	_ =	shalt  }
0x44: {  	_ =	shalt  }
0x45: {  	_ =	shalt  }
0x46: {  	_ =	shalt  }
0x47: {  	_ =	shalt  }
0x48: {  	_ =	shalt  }
0x49: {  	_ =	shalt  }
0x4a: {  	_ =	shalt  }
0x4b: {  	_ =	shalt  }
0x4c: {  	_ =	shalt  }
0x4d: {  	_ =	shalt  }
0x4e: {  	_ =	shalt  }
0x4f: {  	_ =	shalt  }
0x50: {  	_ =	shalt  }
0x51: {  	_ =	shalt  }
0x52: {  	_ =	shalt  }
0x53: {  	_ =	shalt  }
0x54: {  	_ =	shalt  }
0x55: {  	_ =	shalt  }
0x56: {  	_ =	shalt  }
0x57: {  	_ =	shalt  }
0x58: {  	_ =	shalt  }
0x59: {  	_ =	shalt  }
0x5a: {  	_ =	shalt  }
0x5b: {  	_ =	shalt  }
0x5c: {  	_ =	shalt  }
0x5d: {  	_ =	shalt  }
0x5e: {  	_ =	shalt  }
0x5f: {  	_ =	shalt  }
0x60: {  	_ =	shalt  }
0x61: {  	_ =	shalt  }
0x62: {  	_ =	shalt  }
0x63: {  	_ =	shalt  }
0x64: {  	_ =	shalt  }
0x65: {  	_ =	shalt  }
0x66: {  	_ =	shalt  }
0x67: {  	_ =	shalt  }
0x68: {  	_ =	shalt  }
0x69: {  	_ =	shalt  }
0x6a: {  	_ =	shalt  }
0x6b: {  	_ =	shalt  }
0x6c: {  	_ =	shalt  }
0x6d: {  	_ =	shalt  }
0x6e: {  	_ =	shalt  }
0x6f: {  	_ =	shalt  }
0x70: {  	_ =	shalt  }
0x71: {  	_ =	shalt  }
0x72: {  	_ =	shalt  }
0x73: {  	_ =	shalt  }
0x74: {  	_ =	shalt  }
0x75: {  	_ =	shalt  }
0x76: {  	_ =	shalt  }
0x77: {  	_ =	shalt  }
0x78: {  	_ =	shalt  }
0x79: {  	_ =	shalt  }
0x7a: {  	_ =	shalt  }
0x7b: {  	_ =	shalt  }
0x7c: {  	_ =	shalt  }
0x7d: {  	_ =	shalt  }
0x7e: {  	_ =	shalt  }
0x7f: {  	_ =	shalt  }
0x80: {  	_ =	shalt  }
0x81: {  	_ =	shalt  }
0x82: {  	_ =	shalt  }
0x83: {  	_ =	shalt  }
0x84: {  	_ =	shalt  }
0x85: {  	_ =	shalt  }
0x86: {  	_ =	shalt  }
0x87: {  	_ =	shalt  }
.Lfunc_end0:
.L_simem_size_0:
called_computation_lowered:
.L_overlay_start_0:
0x88: {  	s2 =	sld [smem:$0x3FD9]  }
0x89: {  	s3 =	sld [smem:$0x3FFE];
	_ =	sdelay $0x1  }
0x8a: {  	s1 =	srdreg.scid  }
0x8b: {  	s0 =	sand.u32 $0x1, s1  }
0x8c: {  	s18 =	sshll.u32 s0, $0xA;
	s2 =	sadd.s32 s3, s2  }
0x8d: {  	s2 =	sadd.s32 s2, s18  }
0x8e: {  	[smem:$0x3FC6] =	sst s2  }
0x8f: {  	_ = 	snop  }
0x90: {  	s2 =	sld [smem:$0x3FC9]  }
0x91: {  	s19 =	sld [smem:$0x3FC8]  }
0x92: {  	s4 =	sld [smem:$0x3FD0];
	(tm) =	ssettm $0x1  }
0x93: {  	s5 =	sld [smem:$0x3FFB];
	_ =	sdelay $0x3  }
0x94: {  	_ =	strace s5  }
0x95: {  	s5 =	sld [smem:$0x3FFC];
	_ =	sdelay $0x3  }
0x96: {  	_ =	strace s5  }
0x97: {  	s5 =	sld [smem:$0x3FFD];
	_ =	sdelay $0x3  }
0x98: {  	_ =	strace s5  }
0x99: {  	_ =	strace $0x8FFFFFFF  }
0x9a: {  	s20 =	sld [smem:$0x3FDB];
	_ =	sdelay $0x1  }
0x9b: {  	s6 =	simm.s32 $_scs_section_size  }
0x9c: {  	s7 =	simm.s32 $_size__tile_overlayer_lowered;
	s8 =	simm.s32 $_tile_overlayer_lowered  }
0x9d: {  	s23 =	simm.s32 $0x1BFF;
	s22 =	sshll.u32 s8, $0x1;
	s5 =	sadd.s32 s6, s20  }
0x9e: {  	s9 =	simm.s32 $0x0;
	s21 =	sshll.u32 s7, $0x1;
	s7 =	sadd.s32 s22, s5  }
0x9f: {  	[timem:s9], [sflag:s23] =	dma.local [hbm:s7], s21  }
0xa0: {  	_ =	swait.ge [sflag:s23], s21  }
0xa1: {  	s6 =	ssub.s32 $0x0, s21;
	[sflag:s23] =	ssyncset.done $0x0  }
0xa2: {  	[sflag:s23] =	ssyncadd.s32 s6;
	_ =	sdelay $0x1  }
0xa3: {  	s24 =	simm.s32 $0x1B8B  }
0xa4: {  	_ =	swait.ge [sflag:s24], $0x1  }
0xa5: {  	[sflag:s24] =	ssyncset.done $0x0  }
0xa6: {  	s25 =	simm.s32 $0x1B8E;
	[sflag:s24] =	ssyncadd.s32 $0xFFFFFFFF  }
0xa7: {  	s26 =	simm.s32 $execute0_lowered;
	[smem:$0x3FD2] =	sst s25  }
0xa8: {  	s6 =	sshll.u32 s26, $0x1;
	_ =	strace $0x80000046;
	[dreg:$0x1] =	wrdreg $0xFFFFFFFF  }
0xa9: {  	s28 =	simm.s32 $_size_execute0_lowered;
	s5 =	sadd.s32 s5, s6;
	[dreg:$0x0] =	wrdreg $0x0  }
0xaa: {  	s6 =	sshll.u32 s28, $0x1;
	[dreg:$0x2] =	wrdreg s5  }
0xab: {  	[dreg:$0x3] =	wrdreg s6  }
0xac: {  	[dreg:$0x4] =	wrdreg $0xC0  }
0xad: {  	_ =	task [dreg:s9], $0x5FFFF  }
0xae: {  	[dreg:$0x1] =	wrdreg $0xFFFFFFFF  }
0xaf: {  	[dreg:$0x0] =	wrdreg $0x60  }
0xb0: {  	[dreg:$0x2] =	wrdreg s2  }
0xb1: {  	[dreg:$0x3] =	wrdreg s19  }
0xb2: {  	[dreg:$0x4] =	wrdreg s4  }
0xb3: {  	[dreg:$0x5] =	wrdreg $0x9  }
0xb4: {  	_ =	task.clear_ibuf [dreg:s9], $0x6FFFF;
	_ =	strace $0x90000046  }
0xb5: {  	s29 =	simm.s32 $0x9;
	_ =	strace $0x80000048  }
0xb6: {  	_ =	swait.ge [sflag:s29], $0x1  }
0xb7: {  	[sflag:s29] =	ssyncadd.s32 $0xFFFFFFFF  }
0xb8: {  	_ =	strace $0x90000048  }
0xb9: {  	_ =	sfence  }
0xba: {  	s30 =	sld [smem:$0x0];
	_ =	sdelay $0x2  }
0xbb: {  	s31 =	sshll.u32 s1, $0xD;
	s1 =	sshrl.u32 s1, $0x2  }
0xbc: {  	s3 =	sand.u32 $0x4000, s31;
	s1 =	sadd.s32 s1, s30  }
0xbd: {  	s0 =	sor.u32 s3, s0;
	s1 =	sshll.u32 s1, $0x11  }
0xbe: {  	s0 =	sor.u32 s1, s0  }
0xbf: {  	s0 =	sadd.s32 $0x8F2B, s0  }
0xc0: {  	[sflag:s0] =	ssyncadd.remote.s32 $0x1  }
0xc1: {  	_ =	sfence.sel $0xFFFF  }
0xc2: {  	[dreg:$0x0] =	wrdreg $0xFFFFFFFF;
	(pc) =	sbr.abs _section_cstart, $3  }
0xc3: {  	[dreg:$0x1] =	wrdreg $0xFFFFFFFF  }
0xc4: {  	_ =	task.clear_ibuf [dreg:s9], $0x2FFFF;
	_ =	strace $0x9FFFFFFF  }
0xc5: {  	(tm) =	ssettm $0x7FFFFFFF  }
tec
execute0_lowered:
.L_overlay_start_1:
0x0: {  	(tag) =	ssettag $0x1  }
0x1: {  	s0 =	rddreg [dreg:$0x0]  }
0x2: {  	s2 =	rddreg [dreg:$0x1]  }
0x3: {  	s3 =	rddreg [dreg:$0x2];
	s1 =	simm.s32 $0x0;
	s4 =	srdreg.scid  }
0x4: {  	s8 =	stileid.u32;
	s9 =	simm.s32 $0xF800;
	s10 =	simm.s32 $0x10000  }
0x5: {  	s11 =	simm.s32 $0x10800;
	s12 =	simm.s32 $0x11000;
	s13 =	simm.s32 $0x11800  }
0x6: {  	s14 =	simm.s32 $0x1;
	s15 =	simm.s32 $0x12000;
	s16 =	simm.s32 $0x2  }
0x7: {  	s17 =	simm.s32 $0x13000;
	[smem:$0x7FF] =	sst s1;
	s4 =	sand.u32 $0x1, s4  }
0x8: {  	s7 =	sshll.u32 s8, $0xB;
	s29 =	sshll.u32 s8, $0x13;
	s8 =	simm.s32 $0xF000  }
0x9: {  	_ =	strace $0x80000047;
	s5 =	ssub.s32 $0x2, s4;
	s4 =	sshll.u32 s4, $0xA  }
.Ltmp0:
0xa: {  	s6 =	sshrl.u32 s5, $0x1;
	s4 =	sor.u32 s4, s7;
	(pc) =	sbr.rel .LBB2_1-.Ltmp0, $4  }
0xb: {  	s6 =	ssub.s32 s5, s6;
	s7 =	sand.u32 $0x1C00, s4;
	s5 =	sand.u32 $0x600000, s29  }
0xc: {  	v2 =	vlaneseq.u32;
	s30 =	sshll.u32 s4, $0x5;
	s2 =	sadd.s32 s2, s7;
	s4 =	sadd.s32 s0, s5  }
0xd: {  	vm0 =	vmmov $0xffff;
	v1 =	vshrl.u32 v2, $0x3;
	s5 =	sadd.s32 s3, s30;
	s31 =	smax.u32 s6, $0x1;
	[dreg:$0x4] =	wrdreg s2  }
0xe: {  	v0 =	vand.u32 $0x7, v2;
	v2 =	vor.u32 $0x8, v2;
	v1 =	vmul.u32 $0x8, v1;
	s3 =	simm.s32 $0x0;
	[dreg:$0x5] =	wrdreg s31;
	s7 =	sadd.s32 $0x200, s5  }
.LBB2_11:
0xf: {  	s0 =	simm.s32 $0x3  }
0x10: {  	_ =	swait.ge [sflag:s0], $0x1000  }
0x11: {  	[sflag:s0] =	ssyncset.done $0x0  }
0x12: {  	s2 =	simm.s32 $0x4;
	[sflag:s0] =	ssyncadd.s32 $0xFFFFF000  }
0x13: {  	_ =	swait.ge [sflag:s2], $0x1000  }
0x14: {  	s3 =	rddreg [dreg:$0x6]  }
0x15: {  	s31 =	rddreg [dreg:$0x5];
	s3 =	sadd.s32 $0x1, s3  }
0x16: {  	p0 =	sne.s32 s3, s31  }
.Ltmp1:
0x17: {  	_ = 	snop;
	(pc) =	sbr.rel @!p0 .LBB2_12-.Ltmp1, $3  }
0x18: {  	_ =	sdelay $0x1  }
0x19: {  	[sflag:s2] =	ssyncset.done $0x0  }
0x1a: {  	[sflag:s2] =	ssyncadd.s32 $0xFFFFF000  }
.LBB2_1:
0x1b: {  	[dreg:$0x6] =	wrdreg s3  }
0x1c: {  	s0 =	rddreg [dreg:$0x4];
	s20 =	simm.s32 $0x5  }
0x1d: {  	[tilespmem:s1], [sflag:$0x5] =	stream.linear.gather [hbm4b:s0+s1], $0x2000, $0x38;
	[tilespmem:$0x14000] =	vst v63  }
0x1e: {  	_ =	swait.ge [sflag:s20], $0x2000  }
0x1f: {  	[sflag:s20] =	ssyncset.done $0x0  }
0x20: {  	[sflag:s20] =	ssyncadd.s32 $0xFFFFE000  }
0x21: {  	v3 =	vld [tilespmem:$0x0];
	_ =	sdelay $0x4  }
0x22: {  	v4 =	vshll.u32 v3, $0x1  }
0x23: {  	v3 =	vand.u32 $0x7, v3;
	v4 =	vand.u32 $0xFFFFFFF0, v4  }
0x24: {  	v3 =	vor.u32 v3, v4  }
0x25: {  	v4 =	vperm.xlane v3, v0;
	_ =	sdelay $0x1  }
0x26: {  	v3 =	vperm.xlane v3, v2;
	v4 =	vadd.s32 v1, v4;
	_ =	sdelay $0x1  }
0x27: {  	v3 =	vadd.s32 v1, v3;
	_ =	sdelay $0x1  }
0x28: {  	s21 =	simm.s32 $0x2000  }
0x29: {  	[tilespmem:s21], [sflag:$0x1] =	stream.indirect_vreg.gather [hbm4b:s4+s1], $0x80, v4, vm0, $0xb8;
	[tilespmem:$0x14000] =	vst v63  }
0x2a: {  	s22 =	simm.s32 $0x2800  }
0x2b: {  	[tilespmem:s22], [sflag:$0x1] =	stream.indirect_vreg.gather [hbm4b:s4+s1], $0x80, v3, vm0, $0xb8;
	[tilespmem:$0x14000] =	vst v63  }
0x2c: {  	v3 =	vld [tilespmem:$0x10];
	_ =	sdelay $0x4  }
0x2d: {  	v49 =	vshll.u32 v3, $0x1  }
0x2e: {  	v3 =	vand.u32 $0x7, v3;
	v4 =	vand.u32 $0xFFFFFFF0, v49  }
0x2f: {  	v3 =	vor.u32 v3, v4  }
0x30: {  	v4 =	vperm.xlane v3, v0;
	_ =	sdelay $0x1  }
0x31: {  	v3 =	vperm.xlane v3, v2;
	v4 =	vadd.s32 v1, v4;
	_ =	sdelay $0x1  }
0x32: {  	v3 =	vadd.s32 v1, v3;
	_ =	sdelay $0x1  }
0x33: {  	s23 =	simm.s32 $0x3000  }
0x34: {  	[tilespmem:s23], [sflag:$0x1] =	stream.indirect_vreg.gather [hbm4b:s4+s1], $0x80, v4, vm0, $0xb8;
	[tilespmem:$0x14000] =	vst v63  }
0x35: {  	s24 =	simm.s32 $0x3800  }
0x36: {  	[tilespmem:s24], [sflag:$0x1] =	stream.indirect_vreg.gather [hbm4b:s4+s1], $0x80, v3, vm0, $0xb8;
	[tilespmem:$0x14000] =	vst v63  }
0x37: {  	v3 =	vld [tilespmem:$0x20];
	_ =	sdelay $0x4  }
0x38: {  	v50 =	vshll.u32 v3, $0x1  }
0x39: {  	v3 =	vand.u32 $0x7, v3;
	v4 =	vand.u32 $0xFFFFFFF0, v50  }
0x3a: {  	v3 =	vor.u32 v3, v4  }
0x3b: {  	v4 =	vperm.xlane v3, v0;
	_ =	sdelay $0x1  }
0x3c: {  	v3 =	vperm.xlane v3, v2;
	v4 =	vadd.s32 v1, v4;
	_ =	sdelay $0x1  }
0x3d: {  	v3 =	vadd.s32 v1, v3;
	_ =	sdelay $0x1  }
0x3e: {  	s25 =	simm.s32 $0x4000  }
0x3f: {  	[tilespmem:s25], [sflag:$0x1] =	stream.indirect_vreg.gather [hbm4b:s4+s1], $0x80, v4, vm0, $0xb8;
	[tilespmem:$0x14000] =	vst v63  }
0x40: {  	s26 =	simm.s32 $0x4800  }
0x41: {  	[tilespmem:s26], [sflag:$0x1] =	stream.indirect_vreg.gather [hbm4b:s4+s1], $0x80, v3, vm0, $0xb8;
	[tilespmem:$0x14000] =	vst v63  }
0x42: {  	v3 =	vld [tilespmem:$0x30];
	_ =	sdelay $0x4  }
0x43: {  	v51 =	vshll.u32 v3, $0x1  }
0x44: {  	v3 =	vand.u32 $0x7, v3;
	v4 =	vand.u32 $0xFFFFFFF0, v51  }
0x45: {  	v3 =	vor.u32 v3, v4  }
0x46: {  	v4 =	vperm.xlane v3, v0;
	_ =	sdelay $0x1  }
0x47: {  	v3 =	vperm.xlane v3, v2;
	v4 =	vadd.s32 v1, v4;
	_ =	sdelay $0x1  }
0x48: {  	v3 =	vadd.s32 v1, v3;
	_ =	sdelay $0x1  }
0x49: {  	s28 =	simm.s32 $0x5000  }
0x4a: {  	[tilespmem:s28], [sflag:$0x1] =	stream.indirect_vreg.gather [hbm4b:s4+s1], $0x80, v4, vm0, $0xb8;
	[tilespmem:$0x14000] =	vst v63  }
0x4b: {  	s29 =	simm.s32 $0x5800  }
0x4c: {  	[tilespmem:s29], [sflag:$0x1] =	stream.indirect_vreg.gather [hbm4b:s4+s1], $0x80, v3, vm0, $0xb8;
	[tilespmem:$0x14000] =	vst v63  }
0x4d: {  	v3 =	vld [tilespmem:$0x40];
	_ =	sdelay $0x4  }
0x4e: {  	v52 =	vshll.u32 v3, $0x1  }
0x4f: {  	v3 =	vand.u32 $0x7, v3;
	v4 =	vand.u32 $0xFFFFFFF0, v52  }
0x50: {  	v3 =	vor.u32 v3, v4  }
0x51: {  	v4 =	vperm.xlane v3, v0;
	_ =	sdelay $0x1  }
0x52: {  	v3 =	vperm.xlane v3, v2;
	v4 =	vadd.s32 v1, v4;
	_ =	sdelay $0x1  }
0x53: {  	v3 =	vadd.s32 v1, v3;
	_ =	sdelay $0x1  }
0x54: {  	s30 =	simm.s32 $0x6000  }
0x55: {  	[tilespmem:s30], [sflag:$0x1] =	stream.indirect_vreg.gather [hbm4b:s4+s1], $0x80, v4, vm0, $0xb8;
	[tilespmem:$0x14000] =	vst v63  }
0x56: {  	s31 =	simm.s32 $0x6800  }
0x57: {  	[tilespmem:s31], [sflag:$0x1] =	stream.indirect_vreg.gather [hbm4b:s4+s1], $0x80, v3, vm0, $0xb8;
	[tilespmem:$0x14000] =	vst v63  }
0x58: {  	v3 =	vld [tilespmem:$0x50];
	_ =	sdelay $0x4  }
0x59: {  	v53 =	vshll.u32 v3, $0x1  }
0x5a: {  	v3 =	vand.u32 $0x7, v3;
	v4 =	vand.u32 $0xFFFFFFF0, v53  }
0x5b: {  	v3 =	vor.u32 v3, v4  }
0x5c: {  	v4 =	vperm.xlane v3, v0;
	_ =	sdelay $0x1  }
0x5d: {  	v3 =	vperm.xlane v3, v2;
	v4 =	vadd.s32 v1, v4;
	_ =	sdelay $0x1  }
0x5e: {  	v3 =	vadd.s32 v1, v3;
	_ =	sdelay $0x1  }
0x5f: {  	s2 =	simm.s32 $0x7000  }
0x60: {  	[tilespmem:s2], [sflag:$0x1] =	stream.indirect_vreg.gather [hbm4b:s4+s1], $0x80, v4, vm0, $0xb8;
	[tilespmem:$0x14000] =	vst v63  }
0x61: {  	s3 =	simm.s32 $0x7800  }
0x62: {  	[tilespmem:s3], [sflag:$0x1] =	stream.indirect_vreg.gather [hbm4b:s4+s1], $0x80, v3, vm0, $0xb8;
	[tilespmem:$0x14000] =	vst v63  }
0x63: {  	v3 =	vld [tilespmem:$0x60];
	_ =	sdelay $0x4  }
0x64: {  	v54 =	vshll.u32 v3, $0x1  }
0x65: {  	v3 =	vand.u32 $0x7, v3;
	v4 =	vand.u32 $0xFFFFFFF0, v54  }
0x66: {  	v3 =	vor.u32 v3, v4  }
0x67: {  	v4 =	vperm.xlane v3, v0;
	_ =	sdelay $0x1  }
0x68: {  	v3 =	vperm.xlane v3, v2;
	v4 =	vadd.s32 v1, v4;
	_ =	sdelay $0x1  }
0x69: {  	v3 =	vadd.s32 v1, v3;
	_ =	sdelay $0x1  }
0x6a: {  	s6 =	simm.s32 $0x8000  }
0x6b: {  	[tilespmem:s6], [sflag:$0x1] =	stream.indirect_vreg.gather [hbm4b:s4+s1], $0x80, v4, vm0, $0xb8;
	[tilespmem:$0x14000] =	vst v63  }
0x6c: {  	s18 =	simm.s32 $0x8800  }
0x6d: {  	[tilespmem:s18], [sflag:$0x1] =	stream.indirect_vreg.gather [hbm4b:s4+s1], $0x80, v3, vm0, $0xb8;
	[tilespmem:$0x14000] =	vst v63  }
0x6e: {  	v3 =	vld [tilespmem:$0x70];
	_ =	sdelay $0x4  }
0x6f: {  	v55 =	vshll.u32 v3, $0x1  }
0x70: {  	v3 =	vand.u32 $0x7, v3;
	v4 =	vand.u32 $0xFFFFFFF0, v55  }
0x71: {  	v3 =	vor.u32 v3, v4  }
0x72: {  	v4 =	vperm.xlane v3, v0;
	_ =	sdelay $0x1  }
0x73: {  	v3 =	vperm.xlane v3, v2;
	v4 =	vadd.s32 v1, v4;
	_ =	sdelay $0x1  }
0x74: {  	v3 =	vadd.s32 v1, v3;
	_ =	sdelay $0x1  }
0x75: {  	s19 =	simm.s32 $0x9000  }
0x76: {  	[tilespmem:s19], [sflag:$0x1] =	stream.indirect_vreg.gather [hbm4b:s4+s1], $0x80, v4, vm0, $0xb8;
	[tilespmem:$0x14000] =	vst v63  }
0x77: {  	s20 =	simm.s32 $0x9800  }
0x78: {  	[tilespmem:s20], [sflag:$0x1] =	stream.indirect_vreg.gather [hbm4b:s4+s1], $0x80, v3, vm0, $0xb8;
	[tilespmem:$0x14000] =	vst v63  }
0x79: {  	v3 =	vld [tilespmem:$0x80];
	_ =	sdelay $0x4  }
0x7a: {  	v56 =	vshll.u32 v3, $0x1  }
0x7b: {  	v3 =	vand.u32 $0x7, v3;
	v4 =	vand.u32 $0xFFFFFFF0, v56  }
0x7c: {  	v3 =	vor.u32 v3, v4  }
0x7d: {  	v4 =	vperm.xlane v3, v0;
	_ =	sdelay $0x1  }
0x7e: {  	v3 =	vperm.xlane v3, v2;
	v4 =	vadd.s32 v1, v4;
	_ =	sdelay $0x1  }
0x7f: {  	v3 =	vadd.s32 v1, v3;
	_ =	sdelay $0x1  }
0x80: {  	s21 =	simm.s32 $0xA000  }
0x81: {  	[tilespmem:s21], [sflag:$0x2] =	stream.indirect_vreg.gather [hbm4b:s4+s1], $0x80, v4, vm0, $0xb8;
	[tilespmem:$0x14000] =	vst v63  }
0x82: {  	s22 =	simm.s32 $0xA800  }
0x83: {  	[tilespmem:s22], [sflag:$0x2] =	stream.indirect_vreg.gather [hbm4b:s4+s1], $0x80, v3, vm0, $0xb8;
	[tilespmem:$0x14000] =	vst v63  }
0x84: {  	v3 =	vld [tilespmem:$0x90];
	_ =	sdelay $0x4  }
0x85: {  	v57 =	vshll.u32 v3, $0x1  }
0x86: {  	v3 =	vand.u32 $0x7, v3;
	v4 =	vand.u32 $0xFFFFFFF0, v57  }
0x87: {  	v3 =	vor.u32 v3, v4  }
0x88: {  	v4 =	vperm.xlane v3, v0;
	_ =	sdelay $0x1  }
0x89: {  	v3 =	vperm.xlane v3, v2;
	v4 =	vadd.s32 v1, v4;
	_ =	sdelay $0x1  }
0x8a: {  	v3 =	vadd.s32 v1, v3;
	_ =	sdelay $0x1  }
0x8b: {  	s23 =	simm.s32 $0xB000  }
0x8c: {  	[tilespmem:s23], [sflag:$0x2] =	stream.indirect_vreg.gather [hbm4b:s4+s1], $0x80, v4, vm0, $0xb8;
	[tilespmem:$0x14000] =	vst v63  }
0x8d: {  	s24 =	simm.s32 $0xB800  }
0x8e: {  	[tilespmem:s24], [sflag:$0x2] =	stream.indirect_vreg.gather [hbm4b:s4+s1], $0x80, v3, vm0, $0xb8;
	[tilespmem:$0x14000] =	vst v63  }
0x8f: {  	v3 =	vld [tilespmem:$0xA0];
	_ =	sdelay $0x4  }
0x90: {  	v58 =	vshll.u32 v3, $0x1  }
0x91: {  	v3 =	vand.u32 $0x7, v3;
	v4 =	vand.u32 $0xFFFFFFF0, v58  }
0x92: {  	v3 =	vor.u32 v3, v4  }
0x93: {  	v4 =	vperm.xlane v3, v0;
	_ =	sdelay $0x1  }
0x94: {  	v3 =	vperm.xlane v3, v2;
	v4 =	vadd.s32 v1, v4;
	_ =	sdelay $0x1  }
0x95: {  	v3 =	vadd.s32 v1, v3;
	_ =	sdelay $0x1  }
0x96: {  	s25 =	simm.s32 $0xC000  }
0x97: {  	[tilespmem:s25], [sflag:$0x2] =	stream.indirect_vreg.gather [hbm4b:s4+s1], $0x80, v4, vm0, $0xb8;
	[tilespmem:$0x14000] =	vst v63  }
0x98: {  	s26 =	simm.s32 $0xC800  }
0x99: {  	[tilespmem:s26], [sflag:$0x2] =	stream.indirect_vreg.gather [hbm4b:s4+s1], $0x80, v3, vm0, $0xb8;
	[tilespmem:$0x14000] =	vst v63  }
0x9a: {  	v3 =	vld [tilespmem:$0xB0];
	_ =	sdelay $0x4  }
0x9b: {  	v59 =	vshll.u32 v3, $0x1  }
0x9c: {  	v3 =	vand.u32 $0x7, v3;
	v4 =	vand.u32 $0xFFFFFFF0, v59  }
0x9d: {  	v3 =	vor.u32 v3, v4  }
0x9e: {  	v4 =	vperm.xlane v3, v0;
	_ =	sdelay $0x1  }
0x9f: {  	v3 =	vperm.xlane v3, v2;
	v4 =	vadd.s32 v1, v4;
	_ =	sdelay $0x1  }
0xa0: {  	v3 =	vadd.s32 v1, v3;
	_ =	sdelay $0x1  }
0xa1: {  	s28 =	simm.s32 $0xD000  }
0xa2: {  	[tilespmem:s28], [sflag:$0x2] =	stream.indirect_vreg.gather [hbm4b:s4+s1], $0x80, v4, vm0, $0xb8;
	[tilespmem:$0x14000] =	vst v63  }
0xa3: {  	s29 =	simm.s32 $0xD800  }
0xa4: {  	[tilespmem:s29], [sflag:$0x2] =	stream.indirect_vreg.gather [hbm4b:s4+s1], $0x80, v3, vm0, $0xb8;
	[tilespmem:$0x14000] =	vst v63  }
0xa5: {  	v3 =	vld [tilespmem:$0xC0];
	_ =	sdelay $0x4  }
0xa6: {  	v60 =	vshll.u32 v3, $0x1  }
0xa7: {  	v3 =	vand.u32 $0x7, v3;
	v4 =	vand.u32 $0xFFFFFFF0, v60  }
0xa8: {  	v3 =	vor.u32 v3, v4  }
0xa9: {  	v4 =	vperm.xlane v3, v0;
	_ =	sdelay $0x1  }
0xaa: {  	v3 =	vperm.xlane v3, v2;
	v4 =	vadd.s32 v1, v4;
	_ =	sdelay $0x1  }
0xab: {  	v3 =	vadd.s32 v1, v3;
	_ =	sdelay $0x1  }
0xac: {  	s30 =	simm.s32 $0xE000  }
0xad: {  	[tilespmem:s30], [sflag:$0x2] =	stream.indirect_vreg.gather [hbm4b:s4+s1], $0x80, v4, vm0, $0xb8;
	[tilespmem:$0x14000] =	vst v63  }
0xae: {  	s31 =	simm.s32 $0xE800  }
0xaf: {  	[tilespmem:s31], [sflag:$0x2] =	stream.indirect_vreg.gather [hbm4b:s4+s1], $0x80, v3, vm0, $0xb8;
	[tilespmem:$0x14000] =	vst v63  }
0xb0: {  	v3 =	vld [tilespmem:$0xD0];
	_ =	sdelay $0x4  }
0xb1: {  	v61 =	vshll.u32 v3, $0x1  }
0xb2: {  	v3 =	vand.u32 $0x7, v3;
	v4 =	vand.u32 $0xFFFFFFF0, v61  }
0xb3: {  	v3 =	vor.u32 v3, v4  }
0xb4: {  	v4 =	vperm.xlane v3, v0;
	_ =	sdelay $0x1  }
0xb5: {  	v3 =	vperm.xlane v3, v2;
	v4 =	vadd.s32 v1, v4;
	_ =	sdelay $0x1  }
0xb6: {  	v3 =	vadd.s32 v1, v3;
	_ =	sdelay $0x2  }
0xb7: {  	[tilespmem:s8], [sflag:$0x2] =	stream.indirect_vreg.gather [hbm4b:s4+s1], $0x80, v4, vm0, $0xb8;
	[tilespmem:$0x14000] =	vst v63  }
0xb8: {  	_ = 	snop  }
0xb9: {  	[tilespmem:s9], [sflag:$0x2] =	stream.indirect_vreg.gather [hbm4b:s4+s1], $0x80, v3, vm0, $0xb8;
	[tilespmem:$0x14000] =	vst v63  }
0xba: {  	v3 =	vld [tilespmem:$0xE0];
	_ =	sdelay $0x4  }
0xbb: {  	v62 =	vshll.u32 v3, $0x1  }
0xbc: {  	v3 =	vand.u32 $0x7, v3;
	v4 =	vand.u32 $0xFFFFFFF0, v62  }
0xbd: {  	v3 =	vor.u32 v3, v4  }
0xbe: {  	v4 =	vperm.xlane v3, v0;
	_ =	sdelay $0x1  }
0xbf: {  	v3 =	vperm.xlane v3, v2;
	v4 =	vadd.s32 v1, v4;
	_ =	sdelay $0x1  }
0xc0: {  	v3 =	vadd.s32 v1, v3;
	_ =	sdelay $0x2  }
0xc1: {  	[tilespmem:s10], [sflag:$0x2] =	stream.indirect_vreg.gather [hbm4b:s4+s1], $0x80, v4, vm0, $0xb8;
	[tilespmem:$0x14000] =	vst v63  }
0xc2: {  	_ = 	snop  }
0xc3: {  	[tilespmem:s11], [sflag:$0x2] =	stream.indirect_vreg.gather [hbm4b:s4+s1], $0x80, v3, vm0, $0xb8;
	[tilespmem:$0x14000] =	vst v63  }
0xc4: {  	v3 =	vld [tilespmem:$0xF0];
	_ =	sdelay $0x4  }
0xc5: {  	v63 =	vshll.u32 v3, $0x1  }
0xc6: {  	v3 =	vand.u32 $0x7, v3;
	v4 =	vand.u32 $0xFFFFFFF0, v63  }
0xc7: {  	v3 =	vor.u32 v3, v4  }
0xc8: {  	v4 =	vperm.xlane v3, v0;
	_ =	sdelay $0x1  }
0xc9: {  	v3 =	vperm.xlane v3, v2;
	v4 =	vadd.s32 v1, v4;
	_ =	sdelay $0x1  }
0xca: {  	v3 =	vadd.s32 v1, v3  }
.Ltmp2:
0xcb: {  	_ = 	snop;
	(pc) =	sbr.rel .LBB2_2-.Ltmp2, $4  }
0xcc: {  	_ = 	snop  }
0xcd: {  	[tilespmem:s12], [sflag:$0x2] =	stream.indirect_vreg.gather [hbm4b:s4+s1], $0x80, v4, vm0, $0xb8;
	[tilespmem:$0x14000] =	vst v63  }
0xce: {  	s18 =	simm.s32 $0x0  }
0xcf: {  	[tilespmem:s13], [sflag:$0x2] =	stream.indirect_vreg.gather [hbm4b:s4+s1], $0x80, v3, vm0, $0xb8;
	[tilespmem:$0x14000] =	vst v63  }
.LBB2_10:
0xd0: {  	s18 =	sadd.s32 $0x1, s18  }
0xd1: {  	p0 =	sne.s32 s18, $0x20  }
.Ltmp3:
0xd2: {  	_ = 	snop;
	(pc) =	sbr.rel @!p0 .LBB2_11-.Ltmp3, $3  }
0xd3: {  	_ =	sdelay $0x1  }
0xd4: {  	s0 =	sadd.s32 s7, s19  }
0xd5: {  	[hbm4b:s0+s1] =	stream.linear.scatter [tilespmem:s17], [sflag:$0x4], $0x1000, $0x38;
	[tilespmem:$0x14000] =	vst v63  }
.LBB2_2:
0xd6: {  	_ =	swait.ge [sflag:s14], $0x8000;
	p0 =	seq.s32 s18, $0x0;
	s20 =	simm.s32 $0x0  }
0xd7: {  	s0 =	simm.s32 $0x0;
	[sflag:s14] =	ssyncset.done $0x0;
	s2 =	simm.s32 @!p0 $0x3  }
0xd8: {  	s19 =	sand.u32 $0x400, s20;
	s0 =	sand.u32 $0x3FFFF800, s0;
	[sflag:s14] =	ssyncadd.s32 $0xFFFF8000  }
0xd9: {  	s23 =	sand.u32 $0x40, s20;
	s0 =	sor.u32 s19, s0;
	_ =	swait.ge @!p0 [sflag:s2], $0x1000  }
0xda: {  	s22 =	sor.u32 $0x30, s23;
	s0 =	sadd.s32 $0x2000, s0;
	[sflag:s2] =	ssyncset.done @!p0 $0x0  }
0xdb: {  	s28 =	sor.u32 s22, s0;
	[sflag:s2] =	ssyncadd.s32 @!p0 $0xFFFFF000  }
0xdc: {  	v3 =	vld [tilespmem:s28+$0x0]  }
0xdd: {  	v4 =	vld [tilespmem:s28+$0x80]  }
0xde: {  	v5 =	vld [tilespmem:s28+$0x100]  }
0xdf: {  	v6 =	vld [tilespmem:s28+$0x180]  }
0xe0: {  	v7 =	vld [tilespmem:s28+$0x200]  }
0xe1: {  	v8 =	vld [tilespmem:s28+$0x280]  }
0xe2: {  	v9 =	vld [tilespmem:s28+$0x300]  }
0xe3: {  	s21 =	sor.u32 s23, s0;
	v10 =	vld [tilespmem:s28+$0x380]  }
0xe4: {  	v11 =	vld [tilespmem:s21+$0x0]  }
0xe5: {  	v12 =	vld [tilespmem:s21+$0x80]  }
0xe6: {  	v13 =	vld [tilespmem:s21+$0x100]  }
0xe7: {  	v14 =	vld [tilespmem:s21+$0x180]  }
0xe8: {  	v15 =	vld [tilespmem:s21+$0x200]  }
0xe9: {  	v16 =	vld [tilespmem:s21+$0x280]  }
0xea: {  	s29 =	sor.u32 $0x10, s23;
	v17 =	vld [tilespmem:s21+$0x300]  }
0xeb: {  	s24 =	sor.u32 s29, s0;
	v18 =	vld [tilespmem:s21+$0x380]  }
0xec: {  	v19 =	vld [tilespmem:s24+$0x0]  }
0xed: {  	v20 =	vld [tilespmem:s24+$0x80]  }
0xee: {  	s30 =	simm.s32 $0x0;
	s25 =	simm.s32 $0x0;
	v21 =	vld [tilespmem:s24+$0x100]  }
0xef: {  	s25 =	sand.u32 $0x380, s25;
	s21 =	sand.u32 $0x800, s30;
	v22 =	vld [tilespmem:s24+$0x180];
	v4 =	vmax.f32 v3, v4  }
0xf0: {  	s21 =	sor.u32 s25, s21;
	v5 =	vmax.f32 v5, v6;
	v6 =	vmax.f32 v7, v8;
	v7 =	vmax.f32 v9, v10;
	v3 =	vld [tilespmem:s24+$0x200]  }
0xf1: {  	s19 =	sor.u32 s19, s21;
	v9 =	vmax.f32 v13, v14;
	v10 =	vmax.f32 v15, v16;
	v8 =	vmax.f32 v4, v5;
	v5 =	vld [tilespmem:s24+$0x280]  }
0xf2: {  	s26 =	sor.u32 $0x20, s23;
	s28 =	sor.u32 $0x12000, s19;
	v6 =	vmax.f32 v6, v7;
	v7 =	vmax.f32 v11, v12;
	v11 =	vmax.f32 v17, v18;
	v4 =	vld [tilespmem:s24+$0x300]  }
0xf3: {  	s21 =	sor.u32 s26, s0;
	s31 =	sor.u32 s22, s28;
	v6 =	vmax.f32 v8, v6;
	v7 =	vmax.f32 v7, v9;
	v9 =	vmax.f32 v10, v11;
	v8 =	vld [tilespmem:s24+$0x380]  }
0xf4: {  	s19 =	sshll.u32 s18, $0xA;
	s22 =	simm.s32 $0x0;
	s23 =	sor.u32 s23, s28;
	v10 =	vmax.f32 v21, v22;
	[tilespmem:s31+$0x0] =	vst v6;
	v7 =	vmax.f32 v7, v9;
	v9 =	vmax.f32 v19, v20;
	v6 =	vld [tilespmem:s21+$0x0]  }
0xf5: {  	s25 =	sor.u32 s29, s28;
	s24 =	sor.u32 s26, s28;
	[tilespmem:s23+$0x0] =	vst v7;
	v7 =	vmax.f32 v9, v10;
	v9 =	vld [tilespmem:s21+$0x80];
	s23 =	simm.s32 $0x0  }
.LBB2_3:
0xf6: {  	s22 =	sadd.s32 $0x4, s22;
	v3 =	vmax.f32 v3, v5;
	v5 =	vld [tilespmem:s21+$0x100]  }
0xf7: {  	s20 =	sadd.s32 $0x200, s20;
	s0 =	sshll.u32 s22, $0x7;
	p1 =	slt.u32 s22, $0xFC;
	v10 =	vld [tilespmem:s21+$0x180]  }
0xf8: {  	s23 =	sadd.s32 $0x40, s23;
	s31 =	sand.u32 $0x400, s20;
	s0 =	sand.u32 $0x3FFFF800, s0;
	v4 =	vmax.f32 v4, v8;
	v8 =	vld [tilespmem:s21+$0x200]  }
0xf9: {  	s28 =	sand.u32 $0x40, s23;
	s0 =	sor.u32 s31, s0;
	v3 =	vmax.f32 v3, v4;
	v4 =	vld [tilespmem:s21+$0x280]  }
0xfa: {  	s30 =	sor.u32 $0x10, s28;
	s29 =	sor.u32 $0x30, s28;
	s3 =	sadd.s32 $0x2000, s0;
	v3 =	vmax.f32 v7, v3;
	v6 =	vmax.f32 v6, v9;
	v7 =	vld [tilespmem:s21+$0x300]  }
0xfb: {  	s2 =	sor.u32 $0x20, s28;
	s0 =	sor.u32 s28, s3;
	s6 =	sor.u32 s29, s3;
	[tilespmem:s25+$0x0] =	vst v3;
	v3 =	vld [tilespmem:s21+$0x380]  }
0xfc: {  	s26 =	sor.u32 s30, s3;
	s21 =	sor.u32 s2, s3;
	v9 =	vld [tilespmem:s6+$0x0];
	v5 =	vmax.f32 v5, v10  }
0xfd: {  	v10 =	vld [tilespmem:s6+$0x80];
	v5 =	vmax.f32 v6, v5  }
0xfe: {  	v6 =	vld [tilespmem:s6+$0x100];
	v4 =	vmax.f32 v8, v4  }
0xff: {  	v8 =	vld [tilespmem:s6+$0x180]  }
0x100: {  	v11 =	vld [tilespmem:s6+$0x200];
	v3 =	vmax.f32 v7, v3  }
0x101: {  	v7 =	vld [tilespmem:s6+$0x280];
	v3 =	vmax.f32 v4, v3  }
0x102: {  	v4 =	vld [tilespmem:s6+$0x300];
	v3 =	vmax.f32 v5, v3  }
0x103: {  	v5 =	vld [tilespmem:s6+$0x380];
	[tilespmem:s24+$0x0] =	vst v3  }
0x104: {  	v3 =	vld [tilespmem:s0+$0x0]  }
0x105: {  	s3 =	sshll.u32 s22, $0x4;
	s6 =	sshll.u32 s22, $0x3;
	v12 =	vld [tilespmem:s0+$0x80]  }
0x106: {  	s3 =	sand.u32 $0x800, s3;
	s6 =	sand.u32 $0x380, s6;
	v13 =	vld [tilespmem:s0+$0x100]  }
0x107: {  	v9 =	vmax.f32 v9, v10;
	s3 =	sor.u32 s6, s3;
	v14 =	vld [tilespmem:s0+$0x180]  }
0x108: {  	v6 =	vmax.f32 v6, v8;
	s3 =	sor.u32 s31, s3;
	v7 =	vmax.f32 v11, v7;
	v10 =	vld [tilespmem:s0+$0x200];
	v4 =	vmax.f32 v4, v5  }
0x109: {  	v6 =	vmax.f32 v9, v6;
	s3 =	sor.u32 $0x12000, s3;
	v5 =	vld [tilespmem:s0+$0x280];
	v4 =	vmax.f32 v7, v4  }
0x10a: {  	s6 =	sor.u32 s28, s3;
	s25 =	sor.u32 s30, s3;
	s28 =	sor.u32 s29, s3;
	v3 =	vmax.f32 v3, v12;
	v7 =	vld [tilespmem:s0+$0x300];
	v4 =	vmax.f32 v6, v4  }
0x10b: {  	s24 =	sor.u32 s2, s3;
	v6 =	vld [tilespmem:s0+$0x380];
	[tilespmem:s28+$0x0] =	vst v4  }
0x10c: {  	v4 =	vmax.f32 v13, v14;
	v8 =	vld [tilespmem:s26+$0x0]  }
0x10d: {  	v4 =	vmax.f32 v3, v4;
	v9 =	vld [tilespmem:s26+$0x80]  }
0x10e: {  	v5 =	vmax.f32 v10, v5;
	v10 =	vld [tilespmem:s26+$0x100]  }
0x10f: {  	v11 =	vld [tilespmem:s26+$0x180]  }
0x110: {  	v6 =	vmax.f32 v7, v6;
	v3 =	vld [tilespmem:s26+$0x200]  }
.Ltmp4:
0x111: {  	v6 =	vmax.f32 v5, v6;
	v5 =	vld [tilespmem:s26+$0x280];
	(pc) =	sbr.rel @p1 .LBB2_3-.Ltmp4, $4  }
0x112: {  	v6 =	vmax.f32 v4, v6;
	v7 =	vmax.f32 v8, v9;
	v4 =	vld [tilespmem:s26+$0x300]  }
0x113: {  	[tilespmem:s6+$0x0] =	vst v6;
	v8 =	vld [tilespmem:s26+$0x380]  }
0x114: {  	v9 =	vmax.f32 v10, v11;
	v6 =	vld [tilespmem:s21+$0x0]  }
0x115: {  	v7 =	vmax.f32 v7, v9;
	v9 =	vld [tilespmem:s21+$0x80]  }
0x116: {  	v10 =	vld [tilespmem:s21+$0x100]  }
0x117: {  	v11 =	vld [tilespmem:s21+$0x180]  }
0x118: {  	v12 =	vld [tilespmem:s21+$0x200]  }
0x119: {  	v13 =	vld [tilespmem:s21+$0x280]  }
0x11a: {  	v14 =	vld [tilespmem:s21+$0x300]  }
0x11b: {  	v15 =	vld [tilespmem:s21+$0x380];
	_ =	sdelay $0x2  }
0x11c: {  	v3 =	vmax.f32 v3, v5;
	p1 =	seq.s32 s18, $0x1F;
	v4 =	vmax.f32 v4, v8  }
.Ltmp5:
0x11d: {  	v3 =	vmax.f32 v3, v4;
	v59 =	vmax.f32 v6, v9;
	(pc) =	sbr.rel @p1 .LBB2_6-.Ltmp5, $4  }
0x11e: {  	v60 =	vmax.f32 v10, v11;
	v61 =	vmax.f32 v12, v13;
	v62 =	vmax.f32 v14, v15  }
0x11f: {  	v3 =	vmax.f32 v7, v3;
	v4 =	vmax.f32 v59, v60;
	v63 =	vmax.f32 v61, v62  }
0x120: {  	[tilespmem:s25+$0x0] =	vst v3;
	v3 =	vmax.f32 v4, v63  }
0x121: {  	[tilespmem:s24+$0x0] =	vst v3  }
0x122: {  	s20 =	sshra.s32 s19, $0x2  }
0x123: {  	v3 =	vld [tilespmem:s20+$0x100];
	_ =	sdelay $0x4  }
0x124: {  	v4 =	vshll.u32 v3, $0x1  }
0x125: {  	v3 =	vand.u32 $0x7, v3;
	v4 =	vand.u32 $0xFFFFFFF0, v4  }
0x126: {  	v3 =	vor.u32 v3, v4  }
0x127: {  	v4 =	vperm.xlane v3, v0;
	_ =	sdelay $0x1  }
0x128: {  	v3 =	vperm.xlane v3, v2;
	v4 =	vadd.s32 v1, v4;
	_ =	sdelay $0x1  }
0x129: {  	v3 =	vadd.s32 v1, v3;
	_ =	sdelay $0x1  }
0x12a: {  	s0 =	simm.s32 $0x2000  }
0x12b: {  	[tilespmem:s0], [sflag:$0x1] =	stream.indirect_vreg.gather [hbm4b:s4+s1], $0x80, v4, vm0, $0xb8;
	[tilespmem:$0x14000] =	vst v63  }
0x12c: {  	s30 =	simm.s32 $0x2800  }
0x12d: {  	[tilespmem:s30], [sflag:$0x1] =	stream.indirect_vreg.gather [hbm4b:s4+s1], $0x80, v3, vm0, $0xb8;
	[tilespmem:$0x14000] =	vst v63  }
0x12e: {  	v3 =	vld [tilespmem:s20+$0x110];
	_ =	sdelay $0x4  }
0x12f: {  	v57 =	vshll.u32 v3, $0x1  }
0x130: {  	v3 =	vand.u32 $0x7, v3;
	v4 =	vand.u32 $0xFFFFFFF0, v57  }
0x131: {  	v3 =	vor.u32 v3, v4  }
0x132: {  	v4 =	vperm.xlane v3, v0;
	_ =	sdelay $0x1  }
0x133: {  	v3 =	vperm.xlane v3, v2;
	v4 =	vadd.s32 v1, v4;
	_ =	sdelay $0x1  }
0x134: {  	v3 =	vadd.s32 v1, v3;
	_ =	sdelay $0x1  }
0x135: {  	s31 =	simm.s32 $0x3000  }
0x136: {  	[tilespmem:s31], [sflag:$0x1] =	stream.indirect_vreg.gather [hbm4b:s4+s1], $0x80, v4, vm0, $0xb8;
	[tilespmem:$0x14000] =	vst v63  }
0x137: {  	s2 =	simm.s32 $0x3800  }
0x138: {  	[tilespmem:s2], [sflag:$0x1] =	stream.indirect_vreg.gather [hbm4b:s4+s1], $0x80, v3, vm0, $0xb8;
	[tilespmem:$0x14000] =	vst v63  }
0x139: {  	v3 =	vld [tilespmem:s20+$0x120];
	_ =	sdelay $0x4  }
0x13a: {  	v58 =	vshll.u32 v3, $0x1  }
0x13b: {  	v3 =	vand.u32 $0x7, v3;
	v4 =	vand.u32 $0xFFFFFFF0, v58  }
0x13c: {  	v3 =	vor.u32 v3, v4  }
0x13d: {  	v4 =	vperm.xlane v3, v0;
	_ =	sdelay $0x1  }
0x13e: {  	v3 =	vperm.xlane v3, v2;
	v4 =	vadd.s32 v1, v4;
	_ =	sdelay $0x1  }
0x13f: {  	v3 =	vadd.s32 v1, v3;
	_ =	sdelay $0x1  }
0x140: {  	s3 =	simm.s32 $0x4000  }
0x141: {  	[tilespmem:s3], [sflag:$0x1] =	stream.indirect_vreg.gather [hbm4b:s4+s1], $0x80, v4, vm0, $0xb8;
	[tilespmem:$0x14000] =	vst v63  }
0x142: {  	s6 =	simm.s32 $0x4800  }
0x143: {  	[tilespmem:s6], [sflag:$0x1] =	stream.indirect_vreg.gather [hbm4b:s4+s1], $0x80, v3, vm0, $0xb8;
	[tilespmem:$0x14000] =	vst v63  }
0x144: {  	v3 =	vld [tilespmem:s20+$0x130];
	_ =	sdelay $0x4  }
0x145: {  	v59 =	vshll.u32 v3, $0x1  }
0x146: {  	v3 =	vand.u32 $0x7, v3;
	v4 =	vand.u32 $0xFFFFFFF0, v59  }
0x147: {  	v3 =	vor.u32 v3, v4  }
0x148: {  	v4 =	vperm.xlane v3, v0;
	_ =	sdelay $0x1  }
0x149: {  	v3 =	vperm.xlane v3, v2;
	v4 =	vadd.s32 v1, v4;
	_ =	sdelay $0x1  }
0x14a: {  	v3 =	vadd.s32 v1, v3;
	_ =	sdelay $0x1  }
0x14b: {  	s21 =	simm.s32 $0x5000  }
0x14c: {  	[tilespmem:s21], [sflag:$0x1] =	stream.indirect_vreg.gather [hbm4b:s4+s1], $0x80, v4, vm0, $0xb8;
	[tilespmem:$0x14000] =	vst v63  }
0x14d: {  	s22 =	simm.s32 $0x5800  }
0x14e: {  	[tilespmem:s22], [sflag:$0x1] =	stream.indirect_vreg.gather [hbm4b:s4+s1], $0x80, v3, vm0, $0xb8;
	[tilespmem:$0x14000] =	vst v63  }
0x14f: {  	v3 =	vld [tilespmem:s20+$0x140];
	_ =	sdelay $0x4  }
0x150: {  	v60 =	vshll.u32 v3, $0x1  }
0x151: {  	v3 =	vand.u32 $0x7, v3;
	v4 =	vand.u32 $0xFFFFFFF0, v60  }
0x152: {  	v3 =	vor.u32 v3, v4  }
0x153: {  	v4 =	vperm.xlane v3, v0;
	_ =	sdelay $0x1  }
0x154: {  	v3 =	vperm.xlane v3, v2;
	v4 =	vadd.s32 v1, v4;
	_ =	sdelay $0x1  }
0x155: {  	v3 =	vadd.s32 v1, v3;
	_ =	sdelay $0x1  }
0x156: {  	s23 =	simm.s32 $0x6000  }
0x157: {  	[tilespmem:s23], [sflag:$0x1] =	stream.indirect_vreg.gather [hbm4b:s4+s1], $0x80, v4, vm0, $0xb8;
	[tilespmem:$0x14000] =	vst v63  }
0x158: {  	s24 =	simm.s32 $0x6800  }
0x159: {  	[tilespmem:s24], [sflag:$0x1] =	stream.indirect_vreg.gather [hbm4b:s4+s1], $0x80, v3, vm0, $0xb8;
	[tilespmem:$0x14000] =	vst v63  }
0x15a: {  	v3 =	vld [tilespmem:s20+$0x150];
	_ =	sdelay $0x4  }
0x15b: {  	v61 =	vshll.u32 v3, $0x1  }
0x15c: {  	v3 =	vand.u32 $0x7, v3;
	v4 =	vand.u32 $0xFFFFFFF0, v61  }
0x15d: {  	v3 =	vor.u32 v3, v4  }
0x15e: {  	v4 =	vperm.xlane v3, v0;
	_ =	sdelay $0x1  }
0x15f: {  	v3 =	vperm.xlane v3, v2;
	v4 =	vadd.s32 v1, v4;
	_ =	sdelay $0x1  }
0x160: {  	v3 =	vadd.s32 v1, v3;
	_ =	sdelay $0x1  }
0x161: {  	s25 =	simm.s32 $0x7000  }
0x162: {  	[tilespmem:s25], [sflag:$0x1] =	stream.indirect_vreg.gather [hbm4b:s4+s1], $0x80, v4, vm0, $0xb8;
	[tilespmem:$0x14000] =	vst v63  }
0x163: {  	s26 =	simm.s32 $0x7800  }
0x164: {  	[tilespmem:s26], [sflag:$0x1] =	stream.indirect_vreg.gather [hbm4b:s4+s1], $0x80, v3, vm0, $0xb8;
	[tilespmem:$0x14000] =	vst v63  }
0x165: {  	v3 =	vld [tilespmem:s20+$0x160];
	_ =	sdelay $0x4  }
0x166: {  	v62 =	vshll.u32 v3, $0x1  }
0x167: {  	v3 =	vand.u32 $0x7, v3;
	v4 =	vand.u32 $0xFFFFFFF0, v62  }
0x168: {  	v3 =	vor.u32 v3, v4  }
0x169: {  	v4 =	vperm.xlane v3, v0;
	_ =	sdelay $0x1  }
0x16a: {  	v3 =	vperm.xlane v3, v2;
	v4 =	vadd.s32 v1, v4;
	_ =	sdelay $0x1  }
0x16b: {  	v3 =	vadd.s32 v1, v3;
	_ =	sdelay $0x1  }
0x16c: {  	s28 =	simm.s32 $0x8000  }
0x16d: {  	[tilespmem:s28], [sflag:$0x1] =	stream.indirect_vreg.gather [hbm4b:s4+s1], $0x80, v4, vm0, $0xb8;
	[tilespmem:$0x14000] =	vst v63  }
0x16e: {  	s29 =	simm.s32 $0x8800  }
0x16f: {  	[tilespmem:s29], [sflag:$0x1] =	stream.indirect_vreg.gather [hbm4b:s4+s1], $0x80, v3, vm0, $0xb8;
	[tilespmem:$0x14000] =	vst v63  }
0x170: {  	v3 =	vld [tilespmem:s20+$0x170];
	_ =	sdelay $0x4  }
0x171: {  	v63 =	vshll.u32 v3, $0x1  }
0x172: {  	v3 =	vand.u32 $0x7, v3;
	v4 =	vand.u32 $0xFFFFFFF0, v63  }
0x173: {  	v3 =	vor.u32 v3, v4  }
0x174: {  	v4 =	vperm.xlane v3, v0;
	_ =	sdelay $0x1  }
0x175: {  	v3 =	vperm.xlane v3, v2;
	v4 =	vadd.s32 v1, v4;
	_ =	sdelay $0x1  }
0x176: {  	v3 =	vadd.s32 v1, v3;
	_ =	sdelay $0x1  }
0x177: {  	s30 =	simm.s32 $0x9000  }
0x178: {  	[tilespmem:s30], [sflag:$0x1] =	stream.indirect_vreg.gather [hbm4b:s4+s1], $0x80, v4, vm0, $0xb8;
	[tilespmem:$0x14000] =	vst v63  }
0x179: {  	s31 =	simm.s32 $0x9800  }
0x17a: {  	[tilespmem:s31], [sflag:$0x1] =	stream.indirect_vreg.gather [hbm4b:s4+s1], $0x80, v3, vm0, $0xb8;
	[tilespmem:$0x14000] =	vst v63  }
.LBB2_6:
0x17b: {  	s0 =	sadd.s32 s19, s5  }
0x17c: {  	[hbm4b:s0+s1] =	stream.linear.scatter [tilespmem:s15], [sflag:$0x3], $0x1000, $0x38;
	[tilespmem:$0x14000] =	vst v63  }
0x17d: {  	s20 =	simm.s32 $0x0;
	_ =	swait.ge [sflag:s16], $0x8000  }
0x17e: {  	s25 =	simm.s32 $0x0;
	s2 =	simm.s32 @!p0 $0x4;
	[sflag:s16] =	ssyncset.done $0x0  }
0x17f: {  	s3 =	sand.u32 $0x400, s20;
	s0 =	sand.u32 $0x3FFFF800, s25;
	[sflag:s16] =	ssyncadd.s32 $0xFFFF8000  }
0x180: {  	s6 =	sand.u32 $0x40, s20;
	s0 =	sor.u32 s3, s0;
	_ =	swait.ge @!p0 [sflag:s2], $0x1000  }
0x181: {  	s22 =	sor.u32 $0x30, s6;
	s0 =	sadd.s32 $0xA000, s0;
	[sflag:s2] =	ssyncset.done @!p0 $0x0  }
0x182: {  	s26 =	sor.u32 s22, s0;
	[sflag:s2] =	ssyncadd.s32 @!p0 $0xFFFFF000  }
0x183: {  	v3 =	vld [tilespmem:s26+$0x0]  }
0x184: {  	v4 =	vld [tilespmem:s26+$0x80]  }
0x185: {  	v5 =	vld [tilespmem:s26+$0x100]  }
0x186: {  	v6 =	vld [tilespmem:s26+$0x180]  }
0x187: {  	v7 =	vld [tilespmem:s26+$0x200]  }
0x188: {  	v8 =	vld [tilespmem:s26+$0x280]  }
0x189: {  	v9 =	vld [tilespmem:s26+$0x300]  }
0x18a: {  	s21 =	sor.u32 s6, s0;
	v10 =	vld [tilespmem:s26+$0x380]  }
0x18b: {  	v11 =	vld [tilespmem:s21+$0x0]  }
0x18c: {  	v12 =	vld [tilespmem:s21+$0x80]  }
0x18d: {  	v13 =	vld [tilespmem:s21+$0x100]  }
0x18e: {  	v14 =	vld [tilespmem:s21+$0x180]  }
0x18f: {  	v15 =	vld [tilespmem:s21+$0x200]  }
0x190: {  	v16 =	vld [tilespmem:s21+$0x280]  }
0x191: {  	s28 =	sor.u32 $0x10, s6;
	v17 =	vld [tilespmem:s21+$0x300]  }
0x192: {  	s23 =	sor.u32 s28, s0;
	v18 =	vld [tilespmem:s21+$0x380]  }
0x193: {  	v19 =	vld [tilespmem:s23+$0x0]  }
0x194: {  	v20 =	vld [tilespmem:s23+$0x80]  }
0x195: {  	s29 =	simm.s32 $0x0;
	s24 =	simm.s32 $0x0;
	v21 =	vld [tilespmem:s23+$0x100]  }
0x196: {  	s24 =	sand.u32 $0x380, s24;
	s21 =	sand.u32 $0x800, s29;
	v22 =	vld [tilespmem:s23+$0x180];
	v4 =	vmax.f32 v3, v4  }
0x197: {  	s21 =	sor.u32 s24, s21;
	v5 =	vmax.f32 v5, v6;
	v6 =	vmax.f32 v7, v8;
	v7 =	vmax.f32 v9, v10;
	v3 =	vld [tilespmem:s23+$0x200]  }
0x198: {  	s3 =	sor.u32 s3, s21;
	v9 =	vmax.f32 v13, v14;
	v10 =	vmax.f32 v15, v16;
	v8 =	vmax.f32 v4, v5;
	v5 =	vld [tilespmem:s23+$0x280]  }
0x199: {  	s30 =	sor.u32 $0x20, s6;
	s3 =	sor.u32 $0x13000, s3;
	v6 =	vmax.f32 v6, v7;
	v7 =	vmax.f32 v11, v12;
	v11 =	vmax.f32 v17, v18;
	v4 =	vld [tilespmem:s23+$0x300]  }
0x19a: {  	s21 =	sor.u32 s30, s0;
	s31 =	sor.u32 s22, s3;
	v6 =	vmax.f32 v8, v6;
	v7 =	vmax.f32 v7, v9;
	v9 =	vmax.f32 v10, v11;
	v8 =	vld [tilespmem:s23+$0x380]  }
0x19b: {  	s22 =	simm.s32 $0x0;
	s6 =	sor.u32 s6, s3;
	v10 =	vmax.f32 v21, v22;
	[tilespmem:s31+$0x0] =	vst v6;
	v7 =	vmax.f32 v7, v9;
	v9 =	vmax.f32 v19, v20;
	v6 =	vld [tilespmem:s21+$0x0]  }
0x19c: {  	s25 =	sor.u32 s28, s3;
	s24 =	sor.u32 s30, s3;
	s23 =	simm.s32 $0x0;
	[tilespmem:s6+$0x0] =	vst v7;
	v7 =	vmax.f32 v9, v10;
	v9 =	vld [tilespmem:s21+$0x80]  }
.LBB2_7:
0x19d: {  	s22 =	sadd.s32 $0x4, s22;
	v3 =	vmax.f32 v3, v5;
	v5 =	vld [tilespmem:s21+$0x100]  }
0x19e: {  	s20 =	sadd.s32 $0x200, s20;
	s0 =	sshll.u32 s22, $0x7;
	p0 =	slt.u32 s22, $0xFC;
	v10 =	vld [tilespmem:s21+$0x180]  }
0x19f: {  	s23 =	sadd.s32 $0x40, s23;
	s31 =	sand.u32 $0x400, s20;
	s0 =	sand.u32 $0x3FFFF800, s0;
	v4 =	vmax.f32 v4, v8;
	v8 =	vld [tilespmem:s21+$0x200]  }
0x1a0: {  	s28 =	sand.u32 $0x40, s23;
	s0 =	sor.u32 s31, s0;
	v3 =	vmax.f32 v3, v4;
	v4 =	vld [tilespmem:s21+$0x280]  }
0x1a1: {  	s30 =	sor.u32 $0x10, s28;
	s29 =	sor.u32 $0x30, s28;
	s3 =	sadd.s32 $0xA000, s0;
	v3 =	vmax.f32 v7, v3;
	v6 =	vmax.f32 v6, v9;
	v7 =	vld [tilespmem:s21+$0x300]  }
0x1a2: {  	s2 =	sor.u32 $0x20, s28;
	s0 =	sor.u32 s28, s3;
	s6 =	sor.u32 s29, s3;
	[tilespmem:s25+$0x0] =	vst v3;
	v3 =	vld [tilespmem:s21+$0x380]  }
0x1a3: {  	s26 =	sor.u32 s30, s3;
	s21 =	sor.u32 s2, s3;
	v9 =	vld [tilespmem:s6+$0x0];
	v5 =	vmax.f32 v5, v10  }
0x1a4: {  	v10 =	vld [tilespmem:s6+$0x80];
	v5 =	vmax.f32 v6, v5  }
0x1a5: {  	v6 =	vld [tilespmem:s6+$0x100];
	v4 =	vmax.f32 v8, v4  }
0x1a6: {  	v8 =	vld [tilespmem:s6+$0x180]  }
0x1a7: {  	v11 =	vld [tilespmem:s6+$0x200];
	v3 =	vmax.f32 v7, v3  }
0x1a8: {  	v7 =	vld [tilespmem:s6+$0x280];
	v3 =	vmax.f32 v4, v3  }
0x1a9: {  	v4 =	vld [tilespmem:s6+$0x300];
	v3 =	vmax.f32 v5, v3  }
0x1aa: {  	v5 =	vld [tilespmem:s6+$0x380];
	[tilespmem:s24+$0x0] =	vst v3  }
0x1ab: {  	v3 =	vld [tilespmem:s0+$0x0]  }
0x1ac: {  	s3 =	sshll.u32 s22, $0x4;
	s6 =	sshll.u32 s22, $0x3;
	v12 =	vld [tilespmem:s0+$0x80]  }
0x1ad: {  	s3 =	sand.u32 $0x800, s3;
	s6 =	sand.u32 $0x380, s6;
	v13 =	vld [tilespmem:s0+$0x100]  }
0x1ae: {  	v9 =	vmax.f32 v9, v10;
	s3 =	sor.u32 s6, s3;
	v14 =	vld [tilespmem:s0+$0x180]  }
0x1af: {  	v6 =	vmax.f32 v6, v8;
	s3 =	sor.u32 s31, s3;
	v7 =	vmax.f32 v11, v7;
	v10 =	vld [tilespmem:s0+$0x200];
	v4 =	vmax.f32 v4, v5  }
0x1b0: {  	v6 =	vmax.f32 v9, v6;
	s3 =	sor.u32 $0x13000, s3;
	v5 =	vld [tilespmem:s0+$0x280];
	v4 =	vmax.f32 v7, v4  }
0x1b1: {  	s6 =	sor.u32 s28, s3;
	s25 =	sor.u32 s30, s3;
	s28 =	sor.u32 s29, s3;
	v3 =	vmax.f32 v3, v12;
	v7 =	vld [tilespmem:s0+$0x300];
	v4 =	vmax.f32 v6, v4  }
0x1b2: {  	s24 =	sor.u32 s2, s3;
	v6 =	vld [tilespmem:s0+$0x380];
	[tilespmem:s28+$0x0] =	vst v4  }
0x1b3: {  	v4 =	vmax.f32 v13, v14;
	v8 =	vld [tilespmem:s26+$0x0]  }
0x1b4: {  	v4 =	vmax.f32 v3, v4;
	v9 =	vld [tilespmem:s26+$0x80]  }
0x1b5: {  	v5 =	vmax.f32 v10, v5;
	v10 =	vld [tilespmem:s26+$0x100]  }
0x1b6: {  	v11 =	vld [tilespmem:s26+$0x180]  }
0x1b7: {  	v6 =	vmax.f32 v7, v6;
	v3 =	vld [tilespmem:s26+$0x200]  }
.Ltmp6:
0x1b8: {  	v6 =	vmax.f32 v5, v6;
	v5 =	vld [tilespmem:s26+$0x280];
	(pc) =	sbr.rel @p0 .LBB2_7-.Ltmp6, $4  }
0x1b9: {  	v6 =	vmax.f32 v4, v6;
	v7 =	vmax.f32 v8, v9;
	v4 =	vld [tilespmem:s26+$0x300]  }
0x1ba: {  	[tilespmem:s6+$0x0] =	vst v6;
	v8 =	vld [tilespmem:s26+$0x380]  }
0x1bb: {  	v9 =	vmax.f32 v10, v11;
	v6 =	vld [tilespmem:s21+$0x0]  }
0x1bc: {  	v7 =	vmax.f32 v7, v9;
	v9 =	vld [tilespmem:s21+$0x80]  }
0x1bd: {  	v10 =	vld [tilespmem:s21+$0x100]  }
0x1be: {  	v11 =	vld [tilespmem:s21+$0x180]  }
0x1bf: {  	v12 =	vld [tilespmem:s21+$0x200]  }
0x1c0: {  	v13 =	vld [tilespmem:s21+$0x280]  }
0x1c1: {  	v14 =	vld [tilespmem:s21+$0x300]  }
0x1c2: {  	v15 =	vld [tilespmem:s21+$0x380];
	_ =	sdelay $0x2  }
0x1c3: {  	v3 =	vmax.f32 v3, v5;
	v4 =	vmax.f32 v4, v8  }
.Ltmp7:
0x1c4: {  	v3 =	vmax.f32 v3, v4;
	v59 =	vmax.f32 v6, v9;
	(pc) =	sbr.rel @p1 .LBB2_10-.Ltmp7, $4  }
0x1c5: {  	v60 =	vmax.f32 v10, v11;
	v61 =	vmax.f32 v12, v13;
	v62 =	vmax.f32 v14, v15  }
0x1c6: {  	v3 =	vmax.f32 v7, v3;
	v4 =	vmax.f32 v59, v60;
	v63 =	vmax.f32 v61, v62  }
0x1c7: {  	[tilespmem:s25+$0x0] =	vst v3;
	v3 =	vmax.f32 v4, v63  }
0x1c8: {  	[tilespmem:s24+$0x0] =	vst v3  }
0x1c9: {  	s20 =	sshra.s32 s19, $0x2  }
0x1ca: {  	v3 =	vld [tilespmem:s20+$0x180];
	_ =	sdelay $0x4  }
0x1cb: {  	v4 =	vshll.u32 v3, $0x1  }
0x1cc: {  	v3 =	vand.u32 $0x7, v3;
	v4 =	vand.u32 $0xFFFFFFF0, v4  }
0x1cd: {  	v3 =	vor.u32 v3, v4  }
0x1ce: {  	v4 =	vperm.xlane v3, v0;
	_ =	sdelay $0x1  }
0x1cf: {  	v3 =	vperm.xlane v3, v2;
	v4 =	vadd.s32 v1, v4;
	_ =	sdelay $0x1  }
0x1d0: {  	v3 =	vadd.s32 v1, v3;
	_ =	sdelay $0x1  }
0x1d1: {  	s0 =	simm.s32 $0xA000  }
0x1d2: {  	[tilespmem:s0], [sflag:$0x2] =	stream.indirect_vreg.gather [hbm4b:s4+s1], $0x80, v4, vm0, $0xb8;
	[tilespmem:$0x14000] =	vst v63  }
0x1d3: {  	s22 =	simm.s32 $0xA800  }
0x1d4: {  	[tilespmem:s22], [sflag:$0x2] =	stream.indirect_vreg.gather [hbm4b:s4+s1], $0x80, v3, vm0, $0xb8;
	[tilespmem:$0x14000] =	vst v63  }
0x1d5: {  	v3 =	vld [tilespmem:s20+$0x190];
	_ =	sdelay $0x4  }
0x1d6: {  	v57 =	vshll.u32 v3, $0x1  }
0x1d7: {  	v3 =	vand.u32 $0x7, v3;
	v4 =	vand.u32 $0xFFFFFFF0, v57  }
0x1d8: {  	v3 =	vor.u32 v3, v4  }
0x1d9: {  	v4 =	vperm.xlane v3, v0;
	_ =	sdelay $0x1  }
0x1da: {  	v3 =	vperm.xlane v3, v2;
	v4 =	vadd.s32 v1, v4;
	_ =	sdelay $0x1  }
0x1db: {  	v3 =	vadd.s32 v1, v3;
	_ =	sdelay $0x1  }
0x1dc: {  	s23 =	simm.s32 $0xB000  }
0x1dd: {  	[tilespmem:s23], [sflag:$0x2] =	stream.indirect_vreg.gather [hbm4b:s4+s1], $0x80, v4, vm0, $0xb8;
	[tilespmem:$0x14000] =	vst v63  }
0x1de: {  	s24 =	simm.s32 $0xB800  }
0x1df: {  	[tilespmem:s24], [sflag:$0x2] =	stream.indirect_vreg.gather [hbm4b:s4+s1], $0x80, v3, vm0, $0xb8;
	[tilespmem:$0x14000] =	vst v63  }
0x1e0: {  	v3 =	vld [tilespmem:s20+$0x1A0];
	_ =	sdelay $0x4  }
0x1e1: {  	v58 =	vshll.u32 v3, $0x1  }
0x1e2: {  	v3 =	vand.u32 $0x7, v3;
	v4 =	vand.u32 $0xFFFFFFF0, v58  }
0x1e3: {  	v3 =	vor.u32 v3, v4  }
0x1e4: {  	v4 =	vperm.xlane v3, v0;
	_ =	sdelay $0x1  }
0x1e5: {  	v3 =	vperm.xlane v3, v2;
	v4 =	vadd.s32 v1, v4;
	_ =	sdelay $0x1  }
0x1e6: {  	v3 =	vadd.s32 v1, v3;
	_ =	sdelay $0x1  }
0x1e7: {  	s25 =	simm.s32 $0xC000  }
0x1e8: {  	[tilespmem:s25], [sflag:$0x2] =	stream.indirect_vreg.gather [hbm4b:s4+s1], $0x80, v4, vm0, $0xb8;
	[tilespmem:$0x14000] =	vst v63  }
0x1e9: {  	s26 =	simm.s32 $0xC800  }
0x1ea: {  	[tilespmem:s26], [sflag:$0x2] =	stream.indirect_vreg.gather [hbm4b:s4+s1], $0x80, v3, vm0, $0xb8;
	[tilespmem:$0x14000] =	vst v63  }
0x1eb: {  	v3 =	vld [tilespmem:s20+$0x1B0];
	_ =	sdelay $0x4  }
0x1ec: {  	v59 =	vshll.u32 v3, $0x1  }
0x1ed: {  	v3 =	vand.u32 $0x7, v3;
	v4 =	vand.u32 $0xFFFFFFF0, v59  }
0x1ee: {  	v3 =	vor.u32 v3, v4  }
0x1ef: {  	v4 =	vperm.xlane v3, v0;
	_ =	sdelay $0x1  }
0x1f0: {  	v3 =	vperm.xlane v3, v2;
	v4 =	vadd.s32 v1, v4;
	_ =	sdelay $0x1  }
0x1f1: {  	v3 =	vadd.s32 v1, v3;
	_ =	sdelay $0x1  }
0x1f2: {  	s28 =	simm.s32 $0xD000  }
0x1f3: {  	[tilespmem:s28], [sflag:$0x2] =	stream.indirect_vreg.gather [hbm4b:s4+s1], $0x80, v4, vm0, $0xb8;
	[tilespmem:$0x14000] =	vst v63  }
0x1f4: {  	s29 =	simm.s32 $0xD800  }
0x1f5: {  	[tilespmem:s29], [sflag:$0x2] =	stream.indirect_vreg.gather [hbm4b:s4+s1], $0x80, v3, vm0, $0xb8;
	[tilespmem:$0x14000] =	vst v63  }
0x1f6: {  	v3 =	vld [tilespmem:s20+$0x1C0];
	_ =	sdelay $0x4  }
0x1f7: {  	v60 =	vshll.u32 v3, $0x1  }
0x1f8: {  	v3 =	vand.u32 $0x7, v3;
	v4 =	vand.u32 $0xFFFFFFF0, v60  }
0x1f9: {  	v3 =	vor.u32 v3, v4  }
0x1fa: {  	v4 =	vperm.xlane v3, v0;
	_ =	sdelay $0x1  }
0x1fb: {  	v3 =	vperm.xlane v3, v2;
	v4 =	vadd.s32 v1, v4;
	_ =	sdelay $0x1  }
0x1fc: {  	v3 =	vadd.s32 v1, v3;
	_ =	sdelay $0x1  }
0x1fd: {  	s30 =	simm.s32 $0xE000  }
0x1fe: {  	[tilespmem:s30], [sflag:$0x2] =	stream.indirect_vreg.gather [hbm4b:s4+s1], $0x80, v4, vm0, $0xb8;
	[tilespmem:$0x14000] =	vst v63  }
0x1ff: {  	s31 =	simm.s32 $0xE800  }
0x200: {  	[tilespmem:s31], [sflag:$0x2] =	stream.indirect_vreg.gather [hbm4b:s4+s1], $0x80, v3, vm0, $0xb8;
	[tilespmem:$0x14000] =	vst v63  }
0x201: {  	v3 =	vld [tilespmem:s20+$0x1D0];
	_ =	sdelay $0x4  }
0x202: {  	v61 =	vshll.u32 v3, $0x1  }
0x203: {  	v3 =	vand.u32 $0x7, v3;
	v4 =	vand.u32 $0xFFFFFFF0, v61  }
0x204: {  	v3 =	vor.u32 v3, v4  }
0x205: {  	v4 =	vperm.xlane v3, v0;
	_ =	sdelay $0x1  }
0x206: {  	v3 =	vperm.xlane v3, v2;
	v4 =	vadd.s32 v1, v4;
	_ =	sdelay $0x1  }
0x207: {  	v3 =	vadd.s32 v1, v3;
	_ =	sdelay $0x2  }
0x208: {  	[tilespmem:s8], [sflag:$0x2] =	stream.indirect_vreg.gather [hbm4b:s4+s1], $0x80, v4, vm0, $0xb8;
	[tilespmem:$0x14000] =	vst v63  }
0x209: {  	_ = 	snop  }
0x20a: {  	[tilespmem:s9], [sflag:$0x2] =	stream.indirect_vreg.gather [hbm4b:s4+s1], $0x80, v3, vm0, $0xb8;
	[tilespmem:$0x14000] =	vst v63  }
0x20b: {  	v3 =	vld [tilespmem:s20+$0x1E0];
	_ =	sdelay $0x4  }
0x20c: {  	v62 =	vshll.u32 v3, $0x1  }
0x20d: {  	v3 =	vand.u32 $0x7, v3;
	v4 =	vand.u32 $0xFFFFFFF0, v62  }
0x20e: {  	v3 =	vor.u32 v3, v4  }
0x20f: {  	v4 =	vperm.xlane v3, v0;
	_ =	sdelay $0x1  }
0x210: {  	v3 =	vperm.xlane v3, v2;
	v4 =	vadd.s32 v1, v4;
	_ =	sdelay $0x1  }
0x211: {  	v3 =	vadd.s32 v1, v3;
	_ =	sdelay $0x2  }
0x212: {  	[tilespmem:s10], [sflag:$0x2] =	stream.indirect_vreg.gather [hbm4b:s4+s1], $0x80, v4, vm0, $0xb8;
	[tilespmem:$0x14000] =	vst v63  }
0x213: {  	_ = 	snop  }
0x214: {  	[tilespmem:s11], [sflag:$0x2] =	stream.indirect_vreg.gather [hbm4b:s4+s1], $0x80, v3, vm0, $0xb8;
	[tilespmem:$0x14000] =	vst v63  }
0x215: {  	v3 =	vld [tilespmem:s20+$0x1F0];
	_ =	sdelay $0x4  }
0x216: {  	v63 =	vshll.u32 v3, $0x1  }
0x217: {  	v3 =	vand.u32 $0x7, v3;
	v4 =	vand.u32 $0xFFFFFFF0, v63  }
0x218: {  	v3 =	vor.u32 v3, v4  }
0x219: {  	v4 =	vperm.xlane v3, v0;
	_ =	sdelay $0x1  }
0x21a: {  	v3 =	vperm.xlane v3, v2;
	v4 =	vadd.s32 v1, v4;
	_ =	sdelay $0x1  }
0x21b: {  	v3 =	vadd.s32 v1, v3  }
.Ltmp8:
0x21c: {  	_ = 	snop;
	(pc) =	sbr.rel .LBB2_10-.Ltmp8, $4  }
0x21d: {  	_ = 	snop  }
0x21e: {  	[tilespmem:s12], [sflag:$0x2] =	stream.indirect_vreg.gather [hbm4b:s4+s1], $0x80, v4, vm0, $0xb8;
	[tilespmem:$0x14000] =	vst v63  }
0x21f: {  	_ = 	snop  }
0x220: {  	[tilespmem:s13], [sflag:$0x2] =	stream.indirect_vreg.gather [hbm4b:s4+s1], $0x80, v3, vm0, $0xb8;
	[tilespmem:$0x14000] =	vst v63  }
.LBB2_12:
0x221: {  	_ =	sfence.sel $0x180000  }
0x222: {  	[bflag:$0x0] =	sbarrier.arrive $0xFFFF  }
0x223: {  	_ =	strace $0x90000047  }
0x224: {  	s0 =	stileid.u32;
	[bflag:$0x2] =	sbarrier.arrive $0xFFFF  }
0x225: {  	p0 =	sne.s32 s0, $0x0;
	s0 =	rddreg [dreg:$0x3]  }
0x226: {  	s0 =	sadd.s32 @!p0 $0x100000, s0  }
0x227: {  	[sflag:s0] =	ssyncadd.tile.s32 @!p0 $0x1;
	_ =	shalt  }
.Lfunc_end2:
_tile_overlayer_lowered:
.L_overlay_start_2:
0x228: {  	(tag) =	ssettag $0x2  }
0x229: {  	s0 =	rddreg [dreg:$0x0];
	s2 =	stileid.u32  }
0x22a: {  	s1 =	rddreg [dreg:$0x1];
	p0 =	sne.s32 s2, $0x0  }
0x22b: {  	s3 =	rddreg [dreg:$0x2];
	[bflag:$0x3] =	sbarrier.arrive $0xFFFF;
	s2 =	simm.s32 @!p0 $0x1C05  }
0x22c: {  	[timem:s3], [sflag:s2] =	dma.local @!p0 [hbm:s0], s1  }
0x22d: {  	s0 =	simm.s32 @!p0 $0x5  }
0x22e: {  	_ =	swait.ge @!p0 [sflag:s0], s1  }
0x22f: {  	s1 =	ssub.s32 @!p0 $0x0, s1;
	[sflag:s0] =	ssyncset.done @!p0 $0x0  }
0x230: {  	[sflag:s0] =	ssyncadd.s32 @!p0 s1  }
0x231: {  	[bflag:$0x3] =	sbarrier.arrive $0xFFFF  }
0x232: {  	_ =	shalt  }

</sc_bundles>
